<compile_context>
chip_gen: v7x
topology: tpu7x:2x2x1
jax: 0.10.2.dev20260603
libtpu: 0.0.44.dev20260713+nightly
codegen_flags: <defaults>
</compile_context>

<pallas_src>
import functools

import jax
import jax.numpy as jnp
from jax.experimental import pallas as pl
from jax.experimental.pallas import tpu as pltpu
from jax.experimental.pallas import tpu_sc as plsc

_LANES = 16
_WINDOW = 128


def _sc_gather_rows(table, idx):
    n, d = idx.shape[0], table.shape[1]
    nwin = n // _WINDOW
    mesh = plsc.VectorSubcoreMesh(core_axis_name="c", subcore_axis_name="s")

    @functools.partial(
        pl.kernel,
        out_type=jax.ShapeDtypeStruct((n, d), table.dtype),
        mesh=mesh,
        compiler_params=pltpu.CompilerParams(use_tc_tiling_on_sc=False),
    )
    def gather_kernel(table_hbm, idx_hbm, out_hbm):
        def body(idx_vmem, out_vmem):
            pltpu.sync_copy(table_hbm.at[idx_vmem.at[0]], out_vmem)

        pltpu.emit_pipeline(
            body,
            grid=(nwin,),
            in_specs=[pl.BlockSpec((1, _WINDOW), lambda i: (0, i))],
            out_specs=[pl.BlockSpec((_WINDOW, d), lambda i: (i, 0))],
            core_axis_name=("c", "s"),
            dimension_semantics=(pltpu.PARALLEL,),
        )(idx_hbm, out_hbm)

    return gather_kernel(table, idx.reshape(1, n))


def _dist_body(gt_ref, bt_ref, o_ref):
    b0, b1, b2 = bt_ref[0], bt_ref[1], bt_ref[2]
    p0 = b0 * gt_ref[0] + b1 * gt_ref[3] + b2 * gt_ref[6]
    p1 = b0 * gt_ref[1] + b1 * gt_ref[4] + b2 * gt_ref[7]
    p2 = b0 * gt_ref[2] + b1 * gt_ref[5] + b2 * gt_ref[8]
    o_ref[...] = jnp.sqrt(p0 * p0 + p1 * p1 + p2 * p2)


def _dist(gt, bt, total):
    cols = 1024
    rows = total // cols
    br = 128
    out = pl.pallas_call(
        _dist_body,
        grid=(rows // br,),
        in_specs=[
            pl.BlockSpec((9, br, cols), lambda i: (0, i, 0)),
            pl.BlockSpec((3, br, cols), lambda i: (0, i, 0)),
        ],
        out_specs=pl.BlockSpec((br, cols), lambda i: (i, 0)),
        out_shape=jax.ShapeDtypeStruct((rows, cols), jnp.float32),
    )(gt.reshape(gt.shape[0], rows, cols), bt.reshape(3, rows, cols))
    return out.reshape(total)


def kernel(pix_to_face, bary_coords, verts, faces):
    n, h, w, k = pix_to_face.shape
    f = faces.shape[0]
    b = n * h * w * k

    verts_pad = jnp.pad(verts.astype(jnp.float32), ((0, 0), (0, _LANES - 3)))
    faces32 = faces.astype(jnp.int32)
    fp = ((f + _WINDOW - 1) // _WINDOW) * _WINDOW
    faces_pad = jnp.pad(faces32, ((0, fp - f), (0, 0)))
    corner_idx = faces_pad.T.reshape(-1)
    corner_rows = _sc_gather_rows(verts_pad, corner_idx)
    tbl = jnp.concatenate(
        [corner_rows[0 * fp:0 * fp + f, 0:3],
         corner_rows[1 * fp:1 * fp + f, 0:3],
         corner_rows[2 * fp:2 * fp + f, 0:3],
         jnp.zeros((f, _LANES - 9), jnp.float32)], axis=1)

    idx = pix_to_face.astype(jnp.int32).transpose(3, 0, 1, 2).reshape(-1)
    g = _sc_gather_rows(tbl, idx)

    gt = g.T[:9]
    bt = bary_coords.astype(jnp.float32).transpose(4, 3, 0, 1, 2).reshape(3, b)
    d = _dist(gt, bt, b).reshape(k, n, h, w)
    return tuple(d[i].reshape(n, h, w, 1) for i in range(k))

# --- scband reference (transcript-rebuilt; emitter-appended) ---
"""Pipeline reference for scband-dist-shader-26628797235877 (READ-ONLY COPY).

The authoritative reference and input builder live on the scoring server;
editing this copy changes nothing except your own understanding.
"""

import jax, jax.numpy as jnp
import numpy as np

N, H, W, K = 4, 512, 512, 3
V, F = 100000, 200000

def setup_inputs(seed: int = 0) -> dict:
    key = jax.random.key(seed)
    k1, k2, k3, k4 = jax.random.split(key, 4)
    pix_to_face = jax.random.randint(k1, (N, H, W, K), 0, F, dtype=jnp.int64)
    bary_coords = jax.random.uniform(k2, (N, H, W, K, 3), dtype=jnp.float32)
    verts = jax.random.normal(k3, (V, 3), dtype=jnp.float32)
    faces = jax.random.randint(k4, (F, 3), 0, V, dtype=jnp.int64)
    return {"pix_to_face": pix_to_face, "bary_coords": bary_coords, "verts": verts, "faces": faces}

def reference(pix_to_face, bary_coords, verts, faces):
    max_hits = 3
    n, h, w, k = pix_to_face.shape
    # faces_verts = verts[faces] : [F, 3, 3]
    faces_verts = jnp.take(verts, faces, axis=0)
    pixel_faces = pix_to_face.reshape(n, -1, k)            # [N, H*W, K]
    pixel_bary = bary_coords.reshape(n, -1, k, 3)          # [N, H*W, K, 3]
    # pixel_verts = faces_verts[pixel_faces] : [N, H*W, K, 3, 3]
    pixel_verts = jnp.take(faces_verts, pixel_faces, axis=0)
    bary = pixel_bary[..., None]                           # [N, H*W, K, 3, 1]
    pts = (pixel_verts * bary).sum(axis=-2)                # [N, H*W, K, 3]
    all_dists = []
    for i in range(max_hits):
        this_pts = pts[:, :, i, :]
        dist = jnp.linalg.norm(this_pts, axis=-1)
        dist = dist.reshape(n, h, w, 1)
        all_dists.append(dist)
    return tuple(all_dists)

if __name__ == "__main__":
    import jax
    _d = setup_inputs()
    print(jax.jit(kernel)(*tuple(_d.values())))

</pallas_src>

<mosaic_0001>
#map = affine_map<(d0, d1) -> (0, 0)>
module attributes {stable_mosaic.version = 14 : i64} {
  func.func @gather_kernel(%arg0: i32, %arg1: i32, %arg2: memref<200000x16xf32, #tpu.memory_space<hbm>>, %arg3: memref<1x3145728xi32, #tpu.memory_space<hbm>>, %arg4: memref<3145728x16xf32, #tpu.memory_space<hbm>>) attributes {dimension_semantics = [#tpu.dimension_semantics<core_parallel>, #tpu.dimension_semantics<subcore_parallel>], iteration_bounds = array<i64: 2, 16>, scalar_prefetch = 0 : i64, scratch_operands = 0 : i64, tpu.core_type = #tpu.core_type<sc_vector_subcore>, window_params = [{transform_indices = #map}, {transform_indices = #map}, {transform_indices = #map}]} {
    %mul3A = arith.constant 1 : i32
    %mul3A_0 = arith.muli %arg1, %mul3A : i32
    %add3A = arith.constant 0 : i32
    %add3A_1 = arith.addi %add3A, %mul3A_0 : i32
    %mul3A_2 = arith.constant 16 : i32
    %mul3A_3 = arith.muli %arg0, %mul3A_2 : i32
    %add3A_4 = arith.addi %add3A_1, %mul3A_3 : i32
    %mul3A_5 = arith.constant 768 : i32
    %mul3A_6 = arith.muli %add3A_4, %mul3A_5 : i32
    "tpu.region"() ({
      %run_scoped3A = memref.alloca() : memref<2x1x128xi32, #tpu.memory_space<vmem>>
      %run_scoped3A_7 = tpu.sem_alloc : memref<2x!tpu.dma_semaphore, #tpu.memory_space<semaphore_mem>>
      %run_scoped3A_8 = memref.alloca() : memref<2x128x16xf32, #tpu.memory_space<vmem>>
      %run_scoped3A_9 = tpu.sem_alloc : memref<2x!tpu.dma_semaphore, #tpu.memory_space<semaphore_mem>>
      %add3A_10 = arith.constant 0 : i32
      %add3A_11 = arith.addi %add3A_10, %mul3A_6 : i32
      %select_n3A = arith.constant true
      %select_n3A_12 = arith.constant 0 : i32
      %select_n3A_13 = arith.constant -1 : i32
      %select_n3A_14 = arith.select %select_n3A, %select_n3A_13, %select_n3A_12 : i32
      %eq3A = arith.constant -1 : i32
      %eq3A_15 = arith.cmpi eq, %select_n3A_14, %eq3A : i32
      %select_n3A_16 = arith.constant 767 : i32
      %select_n3A_17 = arith.select %eq3A_15, %select_n3A_16, %select_n3A_14 : i32
      %add3A_18 = arith.addi %select_n3A_17, %mul3A_6 : i32
      %select_n3A_19 = arith.constant true
      %select_n3A_20 = arith.constant 0 : i32
      %select_n3A_21 = arith.constant 1 : i32
      %select_n3A_22 = arith.select %select_n3A_19, %select_n3A_21, %select_n3A_20 : i32
      %eq3A_23 = arith.constant 768 : i32
      %eq3A_24 = arith.cmpi eq, %select_n3A_22, %eq3A_23 : i32
      %select_n3A_25 = arith.constant 0 : i32
      %select_n3A_26 = arith.select %eq3A_24, %select_n3A_25, %select_n3A_22 : i32
      %add3A_27 = arith.addi %select_n3A_26, %mul3A_6 : i32
      %add3A_28 = arith.constant 1 : i32
      %add3A_29 = arith.addi %select_n3A_26, %add3A_28 : i32
      %select_n3A_30 = arith.constant true
      %select_n3A_31 = arith.select %select_n3A_30, %add3A_29, %select_n3A_26 : i32
      %eq3A_32 = arith.constant 768 : i32
      %eq3A_33 = arith.cmpi eq, %select_n3A_31, %eq3A_32 : i32
      %select_n3A_34 = arith.constant 0 : i32
      %select_n3A_35 = arith.select %eq3A_33, %select_n3A_34, %select_n3A_31 : i32
      %add3A_36 = arith.addi %select_n3A_35, %mul3A_6 : i32
      "tpu.trace_start"() <{level = 10 : i32, message = "ep_initialize_0"}> : () -> ()
      %rem3A = arith.constant 0 : i32
      %rem3A_37 = arith.constant 2 : i32
      %rem3A_38 = arith.remui %rem3A, %rem3A_37 : i32
      %mul3A_39 = arith.constant 128 : i32
      %mul3A_40 = arith.muli %mul3A_39, %add3A_11 : i32
      %dma_start3A = arith.constant 0 : i32
      %dma_start3A_41 = arith.constant 0 : i32
      %dma_start3A_42 = tpu.memref_slice %run_scoped3A[%rem3A_38, %dma_start3A, %dma_start3A_41] : memref<2x1x128xi32, #tpu.memory_space<vmem>> -> memref<1x1x128xi32, #tpu.memory_space<vmem>>
      %dma_start3A_43 = tpu.memref_squeeze %dma_start3A_42 : memref<1x1x128xi32, #tpu.memory_space<vmem>> -> memref<1x128xi32, #tpu.memory_space<vmem>>
      %dma_start3A_44 = arith.constant 0 : i32
      %dma_start3A_45 = tpu.memref_slice %arg3[%dma_start3A_44, %mul3A_40] : memref<1x3145728xi32, #tpu.memory_space<hbm>> -> memref<1x128xi32, #tpu.memory_space<hbm>>
      %dma_start3A_46 = tpu.memref_slice %run_scoped3A_7[%rem3A_38] : memref<2x!tpu.dma_semaphore, #tpu.memory_space<semaphore_mem>> -> memref<1x!tpu.dma_semaphore, #tpu.memory_space<semaphore_mem>>
      %dma_start3A_47 = tpu.memref_squeeze %dma_start3A_46 : memref<1x!tpu.dma_semaphore, #tpu.memory_space<semaphore_mem>> -> memref<!tpu.dma_semaphore, #tpu.memory_space<semaphore_mem>>
      %dma_start3A_48 = arith.constant 0 : i32
      %dma_start3A_49 = arith.constant 0 : i32
      %dma_start3A_50 = tpu.memref_slice %run_scoped3A[%rem3A_38, %dma_start3A_48, %dma_start3A_49] : memref<2x1x128xi32, #tpu.memory_space<vmem>> -> memref<1x1x128xi32, #tpu.memory_space<vmem>>
      %dma_start3A_51 = tpu.memref_squeeze %dma_start3A_50 : memref<1x1x128xi32, #tpu.memory_space<vmem>> -> memref<1x128xi32, #tpu.memory_space<vmem>>
      %dma_start3A_52 = arith.constant 0 : i32
      %dma_start3A_53 = tpu.memref_slice %arg3[%dma_start3A_52, %mul3A_40] : memref<1x3145728xi32, #tpu.memory_space<hbm>> -> memref<1x128xi32, #tpu.memory_space<hbm>>
      tpu.enqueue_dma source(%dma_start3A_53 : memref<1x128xi32, #tpu.memory_space<hbm>>) target(%dma_start3A_51 : memref<1x128xi32, #tpu.memory_space<vmem>>) target_semaphore(%dma_start3A_47 : memref<!tpu.dma_semaphore, #tpu.memory_space<semaphore_mem>>)
      %add3A_54 = arith.constant 0 : i32
      %add3A_55 = arith.constant 1 : i32
      %add3A_56 = arith.addi %add3A_54, %add3A_55 : i32
      %select_n3A_57 = arith.constant true
      %select_n3A_58 = arith.constant 0 : i32
      %select_n3A_59 = arith.select %select_n3A_57, %add3A_56, %select_n3A_58 : i32
      "tpu.trace_stop"() : () -> ()
      %scan3A = arith.constant 0 : i32
      %scan3A_60 = arith.constant 0 : i32
      %scan3A_61 = arith.constant 0 : i32
      %scan3A_62 = arith.constant 0 : i32
      %scan3A_63 = arith.constant 0 : i32
      %scan3A_64 = arith.constant 768 : i32
      %scan3A_65 = arith.addi %scan3A_63, %scan3A_64 : i32
      %scan3A_66 = arith.constant 1 : i32
      %scan3A_67:5 = scf.for %scan3A_121 = %scan3A_63 to %scan3A_65 step %scan3A_66 iter_args(%scan3A_122 = %select_n3A_59, %scan3A_123 = %scan3A, %scan3A_124 = %scan3A_60, %scan3A_125 = %scan3A_61, %scan3A_126 = %scan3A_62) -> (i32, i32, i32, i32, i32)  : i32 {
        %eq3A_127 = arith.constant 0 : i32
        %eq3A_128 = arith.cmpi eq, %scan3A_121, %eq3A_127 : i32
        %eq3A_129 = arith.constant 767 : i32
        %eq3A_130 = arith.cmpi eq, %scan3A_121, %eq3A_129 : i32
        %add3A_131 = arith.addi %scan3A_126, %mul3A_6 : i32
        %sub3A_132 = arith.constant 1 : i32
        %sub3A_133 = arith.subi %scan3A_126, %sub3A_132 : i32
        %select_n3A_134 = arith.constant true
        %select_n3A_135 = arith.select %select_n3A_134, %sub3A_133, %scan3A_126 : i32
        %eq3A_136 = arith.constant -1 : i32
        %eq3A_137 = arith.cmpi eq, %select_n3A_135, %eq3A_136 : i32
        %select_n3A_138 = arith.constant 767 : i32
        %select_n3A_139 = arith.select %eq3A_137, %select_n3A_138, %select_n3A_135 : i32
        %add3A_140 = arith.addi %select_n3A_139, %mul3A_6 : i32
        %add3A_141 = arith.constant 1 : i32
        %add3A_142 = arith.addi %scan3A_126, %add3A_141 : i32
        %select_n3A_143 = arith.constant true
        %select_n3A_144 = arith.select %select_n3A_143, %add3A_142, %scan3A_126 : i32
        %eq3A_145 = arith.constant 768 : i32
        %eq3A_146 = arith.cmpi eq, %select_n3A_144, %eq3A_145 : i32
        %select_n3A_147 = arith.constant 0 : i32
        %select_n3A_148 = arith.select %eq3A_146, %select_n3A_147, %select_n3A_144 : i32
        %add3A_149 = arith.addi %select_n3A_148, %mul3A_6 : i32
        %add3A_150 = arith.constant 1 : i32
        %add3A_151 = arith.addi %select_n3A_148, %add3A_150 : i32
        %select_n3A_152 = arith.constant true
        %select_n3A_153 = arith.select %select_n3A_152, %add3A_151, %select_n3A_148 : i32
        %eq3A_154 = arith.constant 768 : i32
        %eq3A_155 = arith.cmpi eq, %select_n3A_153, %eq3A_154 : i32
        %select_n3A_156 = arith.constant 0 : i32
        %select_n3A_157 = arith.select %eq3A_155, %select_n3A_156, %select_n3A_153 : i32
        %add3A_158 = arith.addi %select_n3A_157, %mul3A_6 : i32
        %ne3A = arith.cmpi ne, %add3A_131, %add3A_149 : i32
        %or3A = arith.constant false
        %or3A_159 = arith.ori %or3A, %ne3A : i1
        %ge3A = arith.constant 767 : i32
        %ge3A_160 = arith.cmpi sge, %scan3A_121, %ge3A : i32
        %not3A = arith.constant true
        %not3A_161 = arith.xori %ge3A_160, %not3A : i1
        %and3A = arith.andi %or3A_159, %not3A_161 : i1
        %convert_element_type3A = arith.extui %and3A : i1 to i32
        %cond3A = arith.constant 0 : i32
        %cond3A_162 = arith.cmpi ne, %convert_element_type3A, %cond3A : i32
        scf.if %cond3A_162 {
          "tpu.trace_start"() <{level = 10 : i32, message = "ep_copy_in"}> : () -> ()
          %rem3A_264 = arith.constant 2 : i32
          %rem3A_265 = arith.remui %scan3A_122, %rem3A_264 : i32
          %mul3A_266 = arith.constant 128 : i32
          %mul3A_267 = arith.muli %mul3A_266, %add3A_149 : i32
          %dma_start3A_268 = arith.constant 0 : i32
          %dma_start3A_269 = arith.constant 0 : i32
          %dma_start3A_270 = tpu.memref_slice %run_scoped3A[%rem3A_265, %dma_start3A_268, %dma_start3A_269] : memref<2x1x128xi32, #tpu.memory_space<vmem>> -> memref<1x1x128xi32, #tpu.memory_space<vmem>>
          %dma_start3A_271 = tpu.memref_squeeze %dma_start3A_270 : memref<1x1x128xi32, #tpu.memory_space<vmem>> -> memref<1x128xi32, #tpu.memory_space<vmem>>
          %dma_start3A_272 = arith.constant 0 : i32
          %dma_start3A_273 = tpu.memref_slice %arg3[%dma_start3A_272, %mul3A_267] : memref<1x3145728xi32, #tpu.memory_space<hbm>> -> memref<1x128xi32, #tpu.memory_space<hbm>>
          %dma_start3A_274 = tpu.memref_slice %run_scoped3A_7[%rem3A_265] : memref<2x!tpu.dma_semaphore, #tpu.memory_space<semaphore_mem>> -> memref<1x!tpu.dma_semaphore, #tpu.memory_space<semaphore_mem>>
          %dma_start3A_275 = tpu.memref_squeeze %dma_start3A_274 : memref<1x!tpu.dma_semaphore, #tpu.memory_space<semaphore_mem>> -> memref<!tpu.dma_semaphore, #tpu.memory_space<semaphore_mem>>
          %dma_start3A_276 = arith.constant 0 : i32
          %dma_start3A_277 = arith.constant 0 : i32
          %dma_start3A_278 = tpu.memref_slice %run_scoped3A[%rem3A_265, %dma_start3A_276, %dma_start3A_277] : memref<2x1x128xi32, #tpu.memory_space<vmem>> -> memref<1x1x128xi32, #tpu.memory_space<vmem>>
          %dma_start3A_279 = tpu.memref_squeeze %dma_start3A_278 : memref<1x1x128xi32, #tpu.memory_space<vmem>> -> memref<1x128xi32, #tpu.memory_space<vmem>>
          %dma_start3A_280 = arith.constant 0 : i32
          %dma_start3A_281 = tpu.memref_slice %arg3[%dma_start3A_280, %mul3A_267] : memref<1x3145728xi32, #tpu.memory_space<hbm>> -> memref<1x128xi32, #tpu.memory_space<hbm>>
          tpu.enqueue_dma source(%dma_start3A_281 : memref<1x128xi32, #tpu.memory_space<hbm>>) target(%dma_start3A_279 : memref<1x128xi32, #tpu.memory_space<vmem>>) target_semaphore(%dma_start3A_275 : memref<!tpu.dma_semaphore, #tpu.memory_space<semaphore_mem>>)
          "tpu.trace_stop"() : () -> ()
        } else {
        }
        %and3A_163 = arith.constant true
        %and3A_164 = arith.andi %and3A, %and3A_163 : i1
        %add3A_165 = arith.constant 1 : i32
        %add3A_166 = arith.addi %scan3A_122, %add3A_165 : i32
        %select_n3A_167 = arith.select %and3A_164, %add3A_166, %scan3A_122 : i32
        %ne3A_168 = arith.cmpi ne, %add3A_131, %add3A_149 : i32
        %or3A_169 = arith.constant false
        %or3A_170 = arith.ori %or3A_169, %ne3A_168 : i1
        %or3A_171 = arith.constant false
        %or3A_172 = arith.ori %or3A_170, %or3A_171 : i1
        %ge3A_173 = arith.constant 767 : i32
        %ge3A_174 = arith.cmpi sge, %scan3A_121, %ge3A_173 : i32
        %not3A_175 = arith.constant true
        %not3A_176 = arith.xori %ge3A_174, %not3A_175 : i1
        %and3A_177 = arith.andi %or3A_172, %not3A_176 : i1
        %ne3A_178 = arith.cmpi ne, %add3A_131, %add3A_140 : i32
        %or3A_179 = arith.constant false
        %or3A_180 = arith.ori %or3A_179, %ne3A_178 : i1
        %or3A_181 = arith.ori %or3A_180, %eq3A_128 : i1
        %convert_element_type3A_182 = arith.extui %or3A_181 : i1 to i32
        %cond3A_183 = arith.constant 0 : i32
        %cond3A_184 = arith.cmpi ne, %convert_element_type3A_182, %cond3A_183 : i32
        scf.if %cond3A_184 {
          "tpu.trace_start"() <{level = 10 : i32, message = "ep_wait_in"}> : () -> ()
          %mul3A_264 = arith.constant 128 : i32
          %mul3A_265 = arith.muli %mul3A_264, %add3A_131 : i32
          %rem3A_266 = arith.constant 2 : i32
          %rem3A_267 = arith.remui %scan3A_123, %rem3A_266 : i32
          %dma_wait3A_268 = arith.constant 0 : i32
          %dma_wait3A_269 = arith.constant 0 : i32
          %dma_wait3A_270 = tpu.memref_slice %run_scoped3A[%rem3A_267, %dma_wait3A_268, %dma_wait3A_269] : memref<2x1x128xi32, #tpu.memory_space<vmem>> -> memref<1x1x128xi32, #tpu.memory_space<vmem>>
          %dma_wait3A_271 = tpu.memref_squeeze %dma_wait3A_270 : memref<1x1x128xi32, #tpu.memory_space<vmem>> -> memref<1x128xi32, #tpu.memory_space<vmem>>
          %dma_wait3A_272 = arith.constant 0 : i32
          %dma_wait3A_273 = tpu.memref_slice %arg3[%dma_wait3A_272, %mul3A_265] : memref<1x3145728xi32, #tpu.memory_space<hbm>> -> memref<1x128xi32, #tpu.memory_space<hbm>>
          %dma_wait3A_274 = tpu.memref_slice %run_scoped3A_7[%rem3A_267] : memref<2x!tpu.dma_semaphore, #tpu.memory_space<semaphore_mem>> -> memref<1x!tpu.dma_semaphore, #tpu.memory_space<semaphore_mem>>
          %dma_wait3A_275 = tpu.memref_squeeze %dma_wait3A_274 : memref<1x!tpu.dma_semaphore, #tpu.memory_space<semaphore_mem>> -> memref<!tpu.dma_semaphore, #tpu.memory_space<semaphore_mem>>
          %dma_wait3A_276 = arith.constant 0 : i32
          %dma_wait3A_277 = arith.constant 0 : i32
          %dma_wait3A_278 = tpu.memref_slice %run_scoped3A[%rem3A_267, %dma_wait3A_276, %dma_wait3A_277] : memref<2x1x128xi32, #tpu.memory_space<vmem>> -> memref<1x1x128xi32, #tpu.memory_space<vmem>>
          %dma_wait3A_279 = tpu.memref_squeeze %dma_wait3A_278 : memref<1x1x128xi32, #tpu.memory_space<vmem>> -> memref<1x128xi32, #tpu.memory_space<vmem>>
          %dma_wait3A_280 = arith.constant 0 : i32
          %dma_wait3A_281 = tpu.memref_slice %arg3[%dma_wait3A_280, %mul3A_265] : memref<1x3145728xi32, #tpu.memory_space<hbm>> -> memref<1x128xi32, #tpu.memory_space<hbm>>
          tpu.wait_dma2 semaphore(%dma_wait3A_275 : memref<!tpu.dma_semaphore, #tpu.memory_space<semaphore_mem>>) src(%dma_wait3A_281 : memref<1x128xi32, #tpu.memory_space<hbm>>) dst(%dma_wait3A_279 : memref<1x128xi32, #tpu.memory_space<vmem>>)
          "tpu.trace_stop"() : () -> ()
        } else {
        }
        %ne3A_185 = arith.cmpi ne, %add3A_131, %add3A_140 : i32
        %or3A_186 = arith.constant false
        %or3A_187 = arith.ori %or3A_186, %ne3A_185 : i1
        %or3A_188 = arith.constant false
        %or3A_189 = arith.ori %or3A_187, %or3A_188 : i1
        %or3A_190 = arith.ori %or3A_189, %eq3A_128 : i1
        %convert_element_type3A_191 = arith.extui %or3A_190 : i1 to i32
        %cond3A_192 = arith.constant 0 : i32
        %cond3A_193 = arith.cmpi ne, %convert_element_type3A_191, %cond3A_192 : i32
        scf.if %cond3A_193 {
        } else {
        }
        %rem3A_194 = arith.constant 2 : i32
        %rem3A_195 = arith.remui %scan3A_123, %rem3A_194 : i32
        %rem3A_196 = arith.constant 2 : i32
        %rem3A_197 = arith.remui %scan3A_124, %rem3A_196 : i32
        %run_scoped3A_198 = arith.constant 0 : i32
        "tpu.trace_start"() <{level = 10 : i32, message = "ep_run_kernel"}> : () -> ()
        "tpu.region"() ({
          %run_scoped3A_264 = tpu.sem_alloc : memref<!tpu.dma_semaphore, #tpu.memory_space<semaphore_mem>>
          %dma_start3A_265 = arith.constant 0 : i32
          %dma_start3A_266 = arith.constant 0 : i32
          %dma_start3A_267 = tpu.memref_slice %run_scoped3A_8[%rem3A_197, %dma_start3A_265, %dma_start3A_266] : memref<2x128x16xf32, #tpu.memory_space<vmem>> -> memref<1x128x16xf32, #tpu.memory_space<vmem>>
          %dma_start3A_268 = tpu.memref_squeeze %dma_start3A_267 : memref<1x128x16xf32, #tpu.memory_space<vmem>> -> memref<128x16xf32, #tpu.memory_space<vmem>>
          %dma_start3A_269 = arith.constant 0 : i32
          %dma_start3A_270 = arith.constant 0 : i32
          %dma_start3A_271 = tpu.memref_slice %run_scoped3A[%rem3A_195, %dma_start3A_269, %dma_start3A_270] : memref<2x1x128xi32, #tpu.memory_space<vmem>> -> memref<1x1x128xi32, #tpu.memory_space<vmem>>
          %dma_start3A_272 = tpu.memref_squeeze %dma_start3A_271 : memref<1x1x128xi32, #tpu.memory_space<vmem>> -> memref<1x128xi32, #tpu.memory_space<vmem>>
          %dma_start3A_273 = arith.constant 0 : i32
          %dma_start3A_274 = tpu.memref_slice %dma_start3A_272[%run_scoped3A_198, %dma_start3A_273] : memref<1x128xi32, #tpu.memory_space<vmem>> -> memref<1x128xi32, #tpu.memory_space<vmem>>
          %dma_start3A_275 = tpu.memref_squeeze %dma_start3A_274 : memref<1x128xi32, #tpu.memory_space<vmem>> -> memref<128xi32, #tpu.memory_space<vmem>>
          %dma_start3A_276 = arith.constant 0 : i32
          %dma_start3A_277 = arith.constant 0 : i32
          %dma_start3A_278 = tpu.memref_slice %arg2[%dma_start3A_276, %dma_start3A_277] : memref<200000x16xf32, #tpu.memory_space<hbm>> -> memref<200000x16xf32, #tpu.memory_space<hbm>>
          tpu.enqueue_indirect_dma source(%dma_start3A_278 : memref<200000x16xf32, #tpu.memory_space<hbm>>) target(%dma_start3A_268 : memref<128x16xf32, #tpu.memory_space<vmem>>) offsets(%dma_start3A_275 : memref<128xi32, #tpu.memory_space<vmem>>) semaphore(%run_scoped3A_264 : memref<!tpu.dma_semaphore, #tpu.memory_space<semaphore_mem>>)
          %dma_wait3A_279 = arith.constant 0 : i32
          %dma_wait3A_280 = arith.constant 0 : i32
          %dma_wait3A_281 = tpu.memref_slice %run_scoped3A_8[%rem3A_197, %dma_wait3A_279, %dma_wait3A_280] : memref<2x128x16xf32, #tpu.memory_space<vmem>> -> memref<1x128x16xf32, #tpu.memory_space<vmem>>
          %dma_wait3A_282 = tpu.memref_squeeze %dma_wait3A_281 : memref<1x128x16xf32, #tpu.memory_space<vmem>> -> memref<128x16xf32, #tpu.memory_space<vmem>>
          %dma_wait3A_283 = arith.constant 0 : i32
          %dma_wait3A_284 = arith.constant 0 : i32
          %dma_wait3A_285 = tpu.memref_slice %run_scoped3A[%rem3A_195, %dma_wait3A_283, %dma_wait3A_284] : memref<2x1x128xi32, #tpu.memory_space<vmem>> -> memref<1x1x128xi32, #tpu.memory_space<vmem>>
          %dma_wait3A_286 = tpu.memref_squeeze %dma_wait3A_285 : memref<1x1x128xi32, #tpu.memory_space<vmem>> -> memref<1x128xi32, #tpu.memory_space<vmem>>
          %dma_wait3A_287 = arith.constant 0 : i32
          %dma_wait3A_288 = tpu.memref_slice %dma_wait3A_286[%run_scoped3A_198, %dma_wait3A_287] : memref<1x128xi32, #tpu.memory_space<vmem>> -> memref<1x128xi32, #tpu.memory_space<vmem>>
          %dma_wait3A_289 = tpu.memref_squeeze %dma_wait3A_288 : memref<1x128xi32, #tpu.memory_space<vmem>> -> memref<128xi32, #tpu.memory_space<vmem>>
          %dma_wait3A_290 = arith.constant 0 : i32
          %dma_wait3A_291 = arith.constant 0 : i32
          %dma_wait3A_292 = tpu.memref_slice %arg2[%dma_wait3A_290, %dma_wait3A_291] : memref<200000x16xf32, #tpu.memory_space<hbm>> -> memref<200000x16xf32, #tpu.memory_space<hbm>>
          tpu.wait_indirect_dma semaphore(%run_scoped3A_264 : memref<!tpu.dma_semaphore, #tpu.memory_space<semaphore_mem>>) src(%dma_wait3A_292 : memref<200000x16xf32, #tpu.memory_space<hbm>>) dst(%dma_wait3A_282 : memref<128x16xf32, #tpu.memory_space<vmem>>)
          tpu.yield
        }) : () -> ()
        "tpu.trace_stop"() : () -> ()
        %ne3A_199 = arith.cmpi ne, %add3A_131, %add3A_149 : i32
        %or3A_200 = arith.constant false
        %or3A_201 = arith.ori %or3A_200, %ne3A_199 : i1
        %or3A_202 = arith.ori %or3A_201, %eq3A_130 : i1
        %convert_element_type3A_203 = arith.extui %or3A_202 : i1 to i32
        %cond3A_204 = arith.constant 0 : i32
        %cond3A_205 = arith.cmpi ne, %convert_element_type3A_203, %cond3A_204 : i32
        scf.if %cond3A_205 {
        } else {
        }
        %and3A_206 = arith.constant false
        %and3A_207 = arith.andi %or3A_202, %and3A_206 : i1
        %ne3A_208 = arith.cmpi ne, %add3A_131, %add3A_149 : i32
        %or3A_209 = arith.constant false
        %or3A_210 = arith.ori %or3A_209, %ne3A_208 : i1
        %or3A_211 = arith.constant false
        %or3A_212 = arith.ori %or3A_210, %or3A_211 : i1
        %or3A_213 = arith.ori %or3A_212, %eq3A_130 : i1
        %convert_element_type3A_214 = arith.extui %or3A_213 : i1 to i32
        %cond3A_215 = arith.constant 0 : i32
        %cond3A_216 = arith.cmpi ne, %convert_element_type3A_214, %cond3A_215 : i32
        scf.if %cond3A_216 {
          "tpu.trace_start"() <{level = 10 : i32, message = "ep_copy_out"}> : () -> ()
          %rem3A_264 = arith.constant 2 : i32
          %rem3A_265 = arith.remui %scan3A_124, %rem3A_264 : i32
          %mul3A_266 = arith.constant 128 : i32
          %mul3A_267 = arith.muli %mul3A_266, %add3A_131 : i32
          %dma_start3A_268 = arith.constant 0 : i32
          %dma_start3A_269 = arith.constant 0 : i32
          %dma_start3A_270 = tpu.memref_slice %run_scoped3A_8[%rem3A_265, %dma_start3A_268, %dma_start3A_269] : memref<2x128x16xf32, #tpu.memory_space<vmem>> -> memref<1x128x16xf32, #tpu.memory_space<vmem>>
          %dma_start3A_271 = tpu.memref_squeeze %dma_start3A_270 : memref<1x128x16xf32, #tpu.memory_space<vmem>> -> memref<128x16xf32, #tpu.memory_space<vmem>>
          %dma_start3A_272 = arith.constant 0 : i32
          %dma_start3A_273 = tpu.memref_slice %arg4[%mul3A_267, %dma_start3A_272] : memref<3145728x16xf32, #tpu.memory_space<hbm>> -> memref<128x16xf32, #tpu.memory_space<hbm>>
          %dma_start3A_274 = tpu.memref_slice %run_scoped3A_9[%rem3A_265] : memref<2x!tpu.dma_semaphore, #tpu.memory_space<semaphore_mem>> -> memref<1x!tpu.dma_semaphore, #tpu.memory_space<semaphore_mem>>
          %dma_start3A_275 = tpu.memref_squeeze %dma_start3A_274 : memref<1x!tpu.dma_semaphore, #tpu.memory_space<semaphore_mem>> -> memref<!tpu.dma_semaphore, #tpu.memory_space<semaphore_mem>>
          %dma_start3A_276 = arith.constant 0 : i32
          %dma_start3A_277 = tpu.memref_slice %arg4[%mul3A_267, %dma_start3A_276] : memref<3145728x16xf32, #tpu.memory_space<hbm>> -> memref<128x16xf32, #tpu.memory_space<hbm>>
          %dma_start3A_278 = arith.constant 0 : i32
          %dma_start3A_279 = arith.constant 0 : i32
          %dma_start3A_280 = tpu.memref_slice %run_scoped3A_8[%rem3A_265, %dma_start3A_278, %dma_start3A_279] : memref<2x128x16xf32, #tpu.memory_space<vmem>> -> memref<1x128x16xf32, #tpu.memory_space<vmem>>
          %dma_start3A_281 = tpu.memref_squeeze %dma_start3A_280 : memref<1x128x16xf32, #tpu.memory_space<vmem>> -> memref<128x16xf32, #tpu.memory_space<vmem>>
          tpu.enqueue_dma source(%dma_start3A_281 : memref<128x16xf32, #tpu.memory_space<vmem>>) target(%dma_start3A_277 : memref<128x16xf32, #tpu.memory_space<hbm>>) target_semaphore(%dma_start3A_275 : memref<!tpu.dma_semaphore, #tpu.memory_space<semaphore_mem>>)
          "tpu.trace_stop"() : () -> ()
        } else {
        }
        %and3A_217 = arith.constant true
        %and3A_218 = arith.andi %or3A_213, %and3A_217 : i1
        %add3A_219 = arith.constant 1 : i32
        %add3A_220 = arith.addi %scan3A_124, %add3A_219 : i32
        %select_n3A_221 = arith.select %and3A_218, %add3A_220, %scan3A_124 : i32
        %ne3A_222 = arith.cmpi ne, %add3A_131, %add3A_140 : i32
        %or3A_223 = arith.constant false
        %or3A_224 = arith.ori %or3A_223, %ne3A_222 : i1
        %not3A_225 = arith.constant true
        %not3A_226 = arith.xori %eq3A_128, %not3A_225 : i1
        %and3A_227 = arith.andi %or3A_224, %not3A_226 : i1
        %convert_element_type3A_228 = arith.extui %and3A_227 : i1 to i32
        %cond3A_229 = arith.constant 0 : i32
        %cond3A_230 = arith.cmpi ne, %convert_element_type3A_228, %cond3A_229 : i32
        scf.if %cond3A_230 {
        } else {
        }
        %and3A_231 = arith.constant false
        %and3A_232 = arith.andi %and3A_227, %and3A_231 : i1
        %ne3A_233 = arith.cmpi ne, %add3A_131, %add3A_140 : i32
        %or3A_234 = arith.constant false
        %or3A_235 = arith.ori %or3A_234, %ne3A_233 : i1
        %or3A_236 = arith.constant false
        %or3A_237 = arith.ori %or3A_235, %or3A_236 : i1
        %not3A_238 = arith.constant true
        %not3A_239 = arith.xori %eq3A_128, %not3A_238 : i1
        %and3A_240 = arith.andi %or3A_237, %not3A_239 : i1
        %convert_element_type3A_241 = arith.extui %and3A_240 : i1 to i32
        %cond3A_242 = arith.constant 0 : i32
        %cond3A_243 = arith.cmpi ne, %convert_element_type3A_241, %cond3A_242 : i32
        scf.if %cond3A_243 {
          "tpu.trace_start"() <{level = 10 : i32, message = "ep_wait_out"}> : () -> ()
          %rem3A_264 = arith.constant 2 : i32
          %rem3A_265 = arith.remui %scan3A_125, %rem3A_264 : i32
          %mul3A_266 = arith.constant 128 : i32
          %mul3A_267 = arith.muli %mul3A_266, %add3A_140 : i32
          %dma_wait3A_268 = arith.constant 0 : i32
          %dma_wait3A_269 = arith.constant 0 : i32
          %dma_wait3A_270 = tpu.memref_slice %run_scoped3A_8[%rem3A_265, %dma_wait3A_268, %dma_wait3A_269] : memref<2x128x16xf32, #tpu.memory_space<vmem>> -> memref<1x128x16xf32, #tpu.memory_space<vmem>>
          %dma_wait3A_271 = tpu.memref_squeeze %dma_wait3A_270 : memref<1x128x16xf32, #tpu.memory_space<vmem>> -> memref<128x16xf32, #tpu.memory_space<vmem>>
          %dma_wait3A_272 = arith.constant 0 : i32
          %dma_wait3A_273 = tpu.memref_slice %arg4[%mul3A_267, %dma_wait3A_272] : memref<3145728x16xf32, #tpu.memory_space<hbm>> -> memref<128x16xf32, #tpu.memory_space<hbm>>
          %dma_wait3A_274 = tpu.memref_slice %run_scoped3A_9[%rem3A_265] : memref<2x!tpu.dma_semaphore, #tpu.memory_space<semaphore_mem>> -> memref<1x!tpu.dma_semaphore, #tpu.memory_space<semaphore_mem>>
          %dma_wait3A_275 = tpu.memref_squeeze %dma_wait3A_274 : memref<1x!tpu.dma_semaphore, #tpu.memory_space<semaphore_mem>> -> memref<!tpu.dma_semaphore, #tpu.memory_space<semaphore_mem>>
          %dma_wait3A_276 = arith.constant 0 : i32
          %dma_wait3A_277 = tpu.memref_slice %arg4[%mul3A_267, %dma_wait3A_276] : memref<3145728x16xf32, #tpu.memory_space<hbm>> -> memref<128x16xf32, #tpu.memory_space<hbm>>
          %dma_wait3A_278 = arith.constant 0 : i32
          %dma_wait3A_279 = arith.constant 0 : i32
          %dma_wait3A_280 = tpu.memref_slice %run_scoped3A_8[%rem3A_265, %dma_wait3A_278, %dma_wait3A_279] : memref<2x128x16xf32, #tpu.memory_space<vmem>> -> memref<1x128x16xf32, #tpu.memory_space<vmem>>
          %dma_wait3A_281 = tpu.memref_squeeze %dma_wait3A_280 : memref<1x128x16xf32, #tpu.memory_space<vmem>> -> memref<128x16xf32, #tpu.memory_space<vmem>>
          tpu.wait_dma2 semaphore(%dma_wait3A_275 : memref<!tpu.dma_semaphore, #tpu.memory_space<semaphore_mem>>) src(%dma_wait3A_281 : memref<128x16xf32, #tpu.memory_space<vmem>>) dst(%dma_wait3A_277 : memref<128x16xf32, #tpu.memory_space<hbm>>)
          "tpu.trace_stop"() : () -> ()
        } else {
        }
        %and3A_244 = arith.constant true
        %and3A_245 = arith.andi %and3A_240, %and3A_244 : i1
        %add3A_246 = arith.constant 1 : i32
        %add3A_247 = arith.addi %scan3A_125, %add3A_246 : i32
        %select_n3A_248 = arith.select %and3A_245, %add3A_247, %scan3A_125 : i32
        %ne3A_249 = arith.cmpi ne, %add3A_131, %add3A_149 : i32
        %or3A_250 = arith.constant false
        %or3A_251 = arith.ori %or3A_250, %ne3A_249 : i1
        %or3A_252 = arith.ori %or3A_251, %eq3A_130 : i1
        %add3A_253 = arith.constant 1 : i32
        %add3A_254 = arith.addi %scan3A_123, %add3A_253 : i32
        %select_n3A_255 = arith.select %or3A_252, %add3A_254, %scan3A_123 : i32
        %add3A_256 = arith.constant 1 : i32
        %add3A_257 = arith.addi %scan3A_126, %add3A_256 : i32
        %select_n3A_258 = arith.constant true
        %select_n3A_259 = arith.select %select_n3A_258, %add3A_257, %scan3A_126 : i32
        %eq3A_260 = arith.constant 768 : i32
        %eq3A_261 = arith.cmpi eq, %select_n3A_259, %eq3A_260 : i32
        %select_n3A_262 = arith.constant 0 : i32
        %select_n3A_263 = arith.select %eq3A_261, %select_n3A_262, %select_n3A_259 : i32
        scf.yield %select_n3A_167, %select_n3A_255, %select_n3A_221, %select_n3A_248, %select_n3A_263 : i32, i32, i32, i32, i32
      }
      %scan3A_68 = arith.constant 768 : i32
      %sub3A = arith.constant 1 : i32
      %sub3A_69 = arith.subi %scan3A_67#4, %sub3A : i32
      %select_n3A_70 = arith.constant true
      %select_n3A_71 = arith.select %select_n3A_70, %sub3A_69, %scan3A_67#4 : i32
      %eq3A_72 = arith.constant -1 : i32
      %eq3A_73 = arith.cmpi eq, %select_n3A_71, %eq3A_72 : i32
      %select_n3A_74 = arith.constant 767 : i32
      %select_n3A_75 = arith.select %eq3A_73, %select_n3A_74, %select_n3A_71 : i32
      %add3A_76 = arith.addi %select_n3A_75, %mul3A_6 : i32
      %sub3A_77 = arith.constant 1 : i32
      %sub3A_78 = arith.subi %select_n3A_75, %sub3A_77 : i32
      %select_n3A_79 = arith.constant true
      %select_n3A_80 = arith.select %select_n3A_79, %sub3A_78, %select_n3A_75 : i32
      %eq3A_81 = arith.constant -1 : i32
      %eq3A_82 = arith.cmpi eq, %select_n3A_80, %eq3A_81 : i32
      %select_n3A_83 = arith.constant 767 : i32
      %select_n3A_84 = arith.select %eq3A_82, %select_n3A_83, %select_n3A_80 : i32
      %add3A_85 = arith.addi %select_n3A_84, %mul3A_6 : i32
      %add3A_86 = arith.constant 1 : i32
      %add3A_87 = arith.addi %select_n3A_75, %add3A_86 : i32
      %select_n3A_88 = arith.constant true
      %select_n3A_89 = arith.select %select_n3A_88, %add3A_87, %select_n3A_75 : i32
      %eq3A_90 = arith.constant 768 : i32
      %eq3A_91 = arith.cmpi eq, %select_n3A_89, %eq3A_90 : i32
      %select_n3A_92 = arith.constant 0 : i32
      %select_n3A_93 = arith.select %eq3A_91, %select_n3A_92, %select_n3A_89 : i32
      %add3A_94 = arith.addi %select_n3A_93, %mul3A_6 : i32
      %add3A_95 = arith.constant 1 : i32
      %add3A_96 = arith.addi %select_n3A_93, %add3A_95 : i32
      %select_n3A_97 = arith.constant true
      %select_n3A_98 = arith.select %select_n3A_97, %add3A_96, %select_n3A_93 : i32
      %eq3A_99 = arith.constant 768 : i32
      %eq3A_100 = arith.cmpi eq, %select_n3A_98, %eq3A_99 : i32
      %select_n3A_101 = arith.constant 0 : i32
      %select_n3A_102 = arith.select %eq3A_100, %select_n3A_101, %select_n3A_98 : i32
      %add3A_103 = arith.addi %select_n3A_102, %mul3A_6 : i32
      "tpu.trace_start"() <{level = 10 : i32, message = "ep_finalize"}> : () -> ()
      %rem3A_104 = arith.constant 2 : i32
      %rem3A_105 = arith.remui %scan3A_67#3, %rem3A_104 : i32
      %mul3A_106 = arith.constant 128 : i32
      %mul3A_107 = arith.muli %mul3A_106, %add3A_76 : i32
      %dma_wait3A = arith.constant 0 : i32
      %dma_wait3A_108 = arith.constant 0 : i32
      %dma_wait3A_109 = tpu.memref_slice %run_scoped3A_8[%rem3A_105, %dma_wait3A, %dma_wait3A_108] : memref<2x128x16xf32, #tpu.memory_space<vmem>> -> memref<1x128x16xf32, #tpu.memory_space<vmem>>
      %dma_wait3A_110 = tpu.memref_squeeze %dma_wait3A_109 : memref<1x128x16xf32, #tpu.memory_space<vmem>> -> memref<128x16xf32, #tpu.memory_space<vmem>>
      %dma_wait3A_111 = arith.constant 0 : i32
      %dma_wait3A_112 = tpu.memref_slice %arg4[%mul3A_107, %dma_wait3A_111] : memref<3145728x16xf32, #tpu.memory_space<hbm>> -> memref<128x16xf32, #tpu.memory_space<hbm>>
      %dma_wait3A_113 = tpu.memref_slice %run_scoped3A_9[%rem3A_105] : memref<2x!tpu.dma_semaphore, #tpu.memory_space<semaphore_mem>> -> memref<1x!tpu.dma_semaphore, #tpu.memory_space<semaphore_mem>>
      %dma_wait3A_114 = tpu.memref_squeeze %dma_wait3A_113 : memref<1x!tpu.dma_semaphore, #tpu.memory_space<semaphore_mem>> -> memref<!tpu.dma_semaphore, #tpu.memory_space<semaphore_mem>>
      %dma_wait3A_115 = arith.constant 0 : i32
      %dma_wait3A_116 = tpu.memref_slice %arg4[%mul3A_107, %dma_wait3A_115] : memref<3145728x16xf32, #tpu.memory_space<hbm>> -> memref<128x16xf32, #tpu.memory_space<hbm>>
      %dma_wait3A_117 = arith.constant 0 : i32
      %dma_wait3A_118 = arith.constant 0 : i32
      %dma_wait3A_119 = tpu.memref_slice %run_scoped3A_8[%rem3A_105, %dma_wait3A_117, %dma_wait3A_118] : memref<2x128x16xf32, #tpu.memory_space<vmem>> -> memref<1x128x16xf32, #tpu.memory_space<vmem>>
      %dma_wait3A_120 = tpu.memref_squeeze %dma_wait3A_119 : memref<1x128x16xf32, #tpu.memory_space<vmem>> -> memref<128x16xf32, #tpu.memory_space<vmem>>
      tpu.wait_dma2 semaphore(%dma_wait3A_114 : memref<!tpu.dma_semaphore, #tpu.memory_space<semaphore_mem>>) src(%dma_wait3A_120 : memref<128x16xf32, #tpu.memory_space<vmem>>) dst(%dma_wait3A_116 : memref<128x16xf32, #tpu.memory_space<hbm>>)
      "tpu.trace_stop"() : () -> ()
      tpu.yield
    }) : () -> ()
    return
  }
}

#map = affine_map<(d0, d1) -> (0, 0)>
module attributes {stable_mosaic.version = 14 : i64} {
  func.func @gather_kernel(%arg0: i32, %arg1: i32, %arg2: memref<100000x16xf32, #tpu.memory_space<hbm>>, %arg3: memref<1x600192xi32, #tpu.memory_space<hbm>>, %arg4: memref<600192x16xf32, #tpu.memory_space<hbm>>) attributes {dimension_semantics = [#tpu.dimension_semantics<core_parallel>, #tpu.dimension_semantics<subcore_parallel>], iteration_bounds = array<i64: 2, 16>, scalar_prefetch = 0 : i64, scratch_operands = 0 : i64, tpu.core_type = #tpu.core_type<sc_vector_subcore>, window_params = [{transform_indices = #map}, {transform_indices = #map}, {transform_indices = #map}]} {
    %mul3A = arith.constant 1 : i32
    %mul3A_0 = arith.muli %arg1, %mul3A : i32
    %add3A = arith.constant 0 : i32
    %add3A_1 = arith.addi %add3A, %mul3A_0 : i32
    %mul3A_2 = arith.constant 16 : i32
    %mul3A_3 = arith.muli %arg0, %mul3A_2 : i32
    %add3A_4 = arith.addi %add3A_1, %mul3A_3 : i32
    %lt3A = arith.constant 17 : i32
    %lt3A_5 = arith.cmpi slt, %add3A_4, %lt3A : i32
    %jit3A = arith.constant 147 : i32
    %jit3A_6 = arith.constant 146 : i32
    %select_n3A = arith.select %lt3A_5, %jit3A, %jit3A_6 : i32
    %lt3A_7 = arith.constant 17 : i32
    %lt3A_8 = arith.cmpi slt, %add3A_4, %lt3A_7 : i32
    %mul3A_9 = arith.muli %add3A_4, %select_n3A : i32
    %mul3A_10 = arith.constant 146 : i32
    %mul3A_11 = arith.muli %add3A_4, %mul3A_10 : i32
    %add3A_12 = arith.constant 17 : i32
    %add3A_13 = arith.addi %mul3A_11, %add3A_12 : i32
    %select_n3A_14 = arith.select %lt3A_8, %mul3A_9, %add3A_13 : i32
    %mul3A_15 = arith.constant 1 : i32
    %mul3A_16 = arith.muli %mul3A_15, %select_n3A : i32
    "tpu.region"() ({
      %run_scoped3A = memref.alloca() : memref<2x1x128xi32, #tpu.memory_space<vmem>>
      %run_scoped3A_17 = tpu.sem_alloc : memref<2x!tpu.dma_semaphore, #tpu.memory_space<semaphore_mem>>
      %run_scoped3A_18 = memref.alloca() : memref<2x128x16xf32, #tpu.memory_space<vmem>>
      %run_scoped3A_19 = tpu.sem_alloc : memref<2x!tpu.dma_semaphore, #tpu.memory_space<semaphore_mem>>
      %gt3A = arith.constant 0 : i32
      %gt3A_20 = arith.cmpi sgt, %mul3A_16, %gt3A : i32
      %convert_element_type3A = arith.extui %gt3A_20 : i1 to i32
      %cond3A = arith.constant 0 : i32
      %cond3A_21 = arith.cmpi ne, %convert_element_type3A, %cond3A : i32
      scf.if %cond3A_21 {
        %mul3A_22 = arith.constant 1 : i32
        %mul3A_23 = arith.muli %mul3A_22, %select_n3A : i32
        %sub3A = arith.constant 1 : i32
        %sub3A_24 = arith.subi %mul3A_23, %sub3A : i32
        %eq3A = arith.constant 0 : i32
        %eq3A_25 = arith.cmpi eq, %sub3A_24, %eq3A : i32
        %add3A_26 = arith.constant 0 : i32
        %add3A_27 = arith.addi %add3A_26, %select_n3A_14 : i32
        %select_n3A_28 = arith.constant true
        %select_n3A_29 = arith.constant 0 : i32
        %select_n3A_30 = arith.constant -1 : i32
        %select_n3A_31 = arith.select %select_n3A_28, %select_n3A_30, %select_n3A_29 : i32
        %eq3A_32 = arith.constant -1 : i32
        %eq3A_33 = arith.cmpi eq, %select_n3A_31, %eq3A_32 : i32
        %sub3A_34 = arith.constant 1 : i32
        %sub3A_35 = arith.subi %select_n3A, %sub3A_34 : i32
        %select_n3A_36 = arith.select %eq3A_33, %sub3A_35, %select_n3A_31 : i32
        %add3A_37 = arith.addi %select_n3A_36, %select_n3A_14 : i32
        %select_n3A_38 = arith.constant true
        %select_n3A_39 = arith.constant 0 : i32
        %select_n3A_40 = arith.constant 1 : i32
        %select_n3A_41 = arith.select %select_n3A_38, %select_n3A_40, %select_n3A_39 : i32
        %eq3A_42 = arith.cmpi eq, %select_n3A_41, %select_n3A : i32
        %select_n3A_43 = arith.constant 0 : i32
        %select_n3A_44 = arith.select %eq3A_42, %select_n3A_43, %select_n3A_41 : i32
        %add3A_45 = arith.addi %select_n3A_44, %select_n3A_14 : i32
        %add3A_46 = arith.constant 1 : i32
        %add3A_47 = arith.addi %select_n3A_44, %add3A_46 : i32
        %select_n3A_48 = arith.constant true
        %select_n3A_49 = arith.select %select_n3A_48, %add3A_47, %select_n3A_44 : i32
        %eq3A_50 = arith.cmpi eq, %select_n3A_49, %select_n3A : i32
        %select_n3A_51 = arith.constant 0 : i32
        %select_n3A_52 = arith.select %eq3A_50, %select_n3A_51, %select_n3A_49 : i32
        %add3A_53 = arith.addi %select_n3A_52, %select_n3A_14 : i32
        "tpu.trace_start"() <{level = 10 : i32, message = "ep_initialize_0"}> : () -> ()
        %rem3A = arith.constant 0 : i32
        %rem3A_54 = arith.constant 2 : i32
        %rem3A_55 = arith.remui %rem3A, %rem3A_54 : i32
        %mul3A_56 = arith.constant 128 : i32
        %mul3A_57 = arith.muli %mul3A_56, %add3A_27 : i32
        %dma_start3A = arith.constant 0 : i32
        %dma_start3A_58 = arith.constant 0 : i32
        %dma_start3A_59 = tpu.memref_slice %run_scoped3A[%rem3A_55, %dma_start3A, %dma_start3A_58] : memref<2x1x128xi32, #tpu.memory_space<vmem>> -> memref<1x1x128xi32, #tpu.memory_space<vmem>>
        %dma_start3A_60 = tpu.memref_squeeze %dma_start3A_59 : memref<1x1x128xi32, #tpu.memory_space<vmem>> -> memref<1x128xi32, #tpu.memory_space<vmem>>
        %dma_start3A_61 = arith.constant 0 : i32
        %dma_start3A_62 = tpu.memref_slice %arg3[%dma_start3A_61, %mul3A_57] : memref<1x600192xi32, #tpu.memory_space<hbm>> -> memref<1x128xi32, #tpu.memory_space<hbm>>
        %dma_start3A_63 = tpu.memref_slice %run_scoped3A_17[%rem3A_55] : memref<2x!tpu.dma_semaphore, #tpu.memory_space<semaphore_mem>> -> memref<1x!tpu.dma_semaphore, #tpu.memory_space<semaphore_mem>>
        %dma_start3A_64 = tpu.memref_squeeze %dma_start3A_63 : memref<1x!tpu.dma_semaphore, #tpu.memory_space<semaphore_mem>> -> memref<!tpu.dma_semaphore, #tpu.memory_space<semaphore_mem>>
        %dma_start3A_65 = arith.constant 0 : i32
        %dma_start3A_66 = arith.constant 0 : i32
        %dma_start3A_67 = tpu.memref_slice %run_scoped3A[%rem3A_55, %dma_start3A_65, %dma_start3A_66] : memref<2x1x128xi32, #tpu.memory_space<vmem>> -> memref<1x1x128xi32, #tpu.memory_space<vmem>>
        %dma_start3A_68 = tpu.memref_squeeze %dma_start3A_67 : memref<1x1x128xi32, #tpu.memory_space<vmem>> -> memref<1x128xi32, #tpu.memory_space<vmem>>
        %dma_start3A_69 = arith.constant 0 : i32
        %dma_start3A_70 = tpu.memref_slice %arg3[%dma_start3A_69, %mul3A_57] : memref<1x600192xi32, #tpu.memory_space<hbm>> -> memref<1x128xi32, #tpu.memory_space<hbm>>
        tpu.enqueue_dma source(%dma_start3A_70 : memref<1x128xi32, #tpu.memory_space<hbm>>) target(%dma_start3A_68 : memref<1x128xi32, #tpu.memory_space<vmem>>) target_semaphore(%dma_start3A_64 : memref<!tpu.dma_semaphore, #tpu.memory_space<semaphore_mem>>)
        %add3A_71 = arith.constant 0 : i32
        %add3A_72 = arith.constant 1 : i32
        %add3A_73 = arith.addi %add3A_71, %add3A_72 : i32
        %select_n3A_74 = arith.constant true
        %select_n3A_75 = arith.constant 0 : i32
        %select_n3A_76 = arith.select %select_n3A_74, %add3A_73, %select_n3A_75 : i32
        %while3A = arith.constant 0 : i32
        %while3A_77 = arith.constant 0 : i32
        %while3A_78 = arith.constant 0 : i32
        %while3A_79 = arith.constant 0 : i32
        %while3A_80 = arith.constant 0 : i32
        "tpu.trace_stop"() : () -> ()
        %while3A_81 = arith.subi %mul3A_16, %while3A : i32
        %while3A_82 = arith.addi %while3A, %while3A_81 : i32
        %while3A_83 = arith.constant 1 : i32
        %while3A_84 = arith.divsi %while3A_81, %while3A_83 : i32
        %while3A_85 = arith.muli %while3A_84, %while3A_83 : i32
        %while3A_86 = arith.addi %while3A, %while3A_85 : i32
        %while3A_87 = arith.constant 1 : i32
        %while3A_88:5 = scf.for %while3A_142 = %while3A to %while3A_86 step %while3A_87 iter_args(%while3A_143 = %select_n3A_76, %while3A_144 = %while3A_77, %while3A_145 = %while3A_78, %while3A_146 = %while3A_79, %while3A_147 = %while3A_80) -> (i32, i32, i32, i32, i32)  : i32 {
          %mul3A_148 = arith.constant 1 : i32
          %mul3A_149 = arith.muli %mul3A_148, %select_n3A : i32
          %eq3A_150 = arith.constant 0 : i32
          %eq3A_151 = arith.cmpi eq, %while3A_142, %eq3A_150 : i32
          %sub3A_152 = arith.constant 1 : i32
          %sub3A_153 = arith.subi %mul3A_149, %sub3A_152 : i32
          %eq3A_154 = arith.cmpi eq, %while3A_142, %sub3A_153 : i32
          %add3A_155 = arith.addi %while3A_147, %select_n3A_14 : i32
          %sub3A_156 = arith.constant 1 : i32
          %sub3A_157 = arith.subi %while3A_147, %sub3A_156 : i32
          %select_n3A_158 = arith.constant true
          %select_n3A_159 = arith.select %select_n3A_158, %sub3A_157, %while3A_147 : i32
          %eq3A_160 = arith.constant -1 : i32
          %eq3A_161 = arith.cmpi eq, %select_n3A_159, %eq3A_160 : i32
          %sub3A_162 = arith.constant 1 : i32
          %sub3A_163 = arith.subi %select_n3A, %sub3A_162 : i32
          %select_n3A_164 = arith.select %eq3A_161, %sub3A_163, %select_n3A_159 : i32
          %add3A_165 = arith.addi %select_n3A_164, %select_n3A_14 : i32
          %add3A_166 = arith.constant 1 : i32
          %add3A_167 = arith.addi %while3A_147, %add3A_166 : i32
          %select_n3A_168 = arith.constant true
          %select_n3A_169 = arith.select %select_n3A_168, %add3A_167, %while3A_147 : i32
          %eq3A_170 = arith.cmpi eq, %select_n3A_169, %select_n3A : i32
          %select_n3A_171 = arith.constant 0 : i32
          %select_n3A_172 = arith.select %eq3A_170, %select_n3A_171, %select_n3A_169 : i32
          %add3A_173 = arith.addi %select_n3A_172, %select_n3A_14 : i32
          %add3A_174 = arith.constant 1 : i32
          %add3A_175 = arith.addi %select_n3A_172, %add3A_174 : i32
          %select_n3A_176 = arith.constant true
          %select_n3A_177 = arith.select %select_n3A_176, %add3A_175, %select_n3A_172 : i32
          %eq3A_178 = arith.cmpi eq, %select_n3A_177, %select_n3A : i32
          %select_n3A_179 = arith.constant 0 : i32
          %select_n3A_180 = arith.select %eq3A_178, %select_n3A_179, %select_n3A_177 : i32
          %add3A_181 = arith.addi %select_n3A_180, %select_n3A_14 : i32
          %ne3A = arith.cmpi ne, %add3A_155, %add3A_173 : i32
          %or3A = arith.constant false
          %or3A_182 = arith.ori %or3A, %ne3A : i1
          %sub3A_183 = arith.constant 2 : i32
          %sub3A_184 = arith.subi %mul3A_149, %sub3A_183 : i32
          %add3A_185 = arith.constant 1 : i32
          %add3A_186 = arith.addi %sub3A_184, %add3A_185 : i32
          %ge3A = arith.cmpi sge, %while3A_142, %add3A_186 : i32
          %not3A = arith.constant true
          %not3A_187 = arith.xori %ge3A, %not3A : i1
          %and3A = arith.andi %or3A_182, %not3A_187 : i1
          %convert_element_type3A_188 = arith.extui %and3A : i1 to i32
          %cond3A_189 = arith.constant 0 : i32
          %cond3A_190 = arith.cmpi ne, %convert_element_type3A_188, %cond3A_189 : i32
          scf.if %cond3A_190 {
            "tpu.trace_start"() <{level = 10 : i32, message = "ep_copy_in"}> : () -> ()
            %rem3A_294 = arith.constant 2 : i32
            %rem3A_295 = arith.remui %while3A_143, %rem3A_294 : i32
            %mul3A_296 = arith.constant 128 : i32
            %mul3A_297 = arith.muli %mul3A_296, %add3A_173 : i32
            %dma_start3A_298 = arith.constant 0 : i32
            %dma_start3A_299 = arith.constant 0 : i32
            %dma_start3A_300 = tpu.memref_slice %run_scoped3A[%rem3A_295, %dma_start3A_298, %dma_start3A_299] : memref<2x1x128xi32, #tpu.memory_space<vmem>> -> memref<1x1x128xi32, #tpu.memory_space<vmem>>
            %dma_start3A_301 = tpu.memref_squeeze %dma_start3A_300 : memref<1x1x128xi32, #tpu.memory_space<vmem>> -> memref<1x128xi32, #tpu.memory_space<vmem>>
            %dma_start3A_302 = arith.constant 0 : i32
            %dma_start3A_303 = tpu.memref_slice %arg3[%dma_start3A_302, %mul3A_297] : memref<1x600192xi32, #tpu.memory_space<hbm>> -> memref<1x128xi32, #tpu.memory_space<hbm>>
            %dma_start3A_304 = tpu.memref_slice %run_scoped3A_17[%rem3A_295] : memref<2x!tpu.dma_semaphore, #tpu.memory_space<semaphore_mem>> -> memref<1x!tpu.dma_semaphore, #tpu.memory_space<semaphore_mem>>
            %dma_start3A_305 = tpu.memref_squeeze %dma_start3A_304 : memref<1x!tpu.dma_semaphore, #tpu.memory_space<semaphore_mem>> -> memref<!tpu.dma_semaphore, #tpu.memory_space<semaphore_mem>>
            %dma_start3A_306 = arith.constant 0 : i32
            %dma_start3A_307 = arith.constant 0 : i32
            %dma_start3A_308 = tpu.memref_slice %run_scoped3A[%rem3A_295, %dma_start3A_306, %dma_start3A_307] : memref<2x1x128xi32, #tpu.memory_space<vmem>> -> memref<1x1x128xi32, #tpu.memory_space<vmem>>
            %dma_start3A_309 = tpu.memref_squeeze %dma_start3A_308 : memref<1x1x128xi32, #tpu.memory_space<vmem>> -> memref<1x128xi32, #tpu.memory_space<vmem>>
            %dma_start3A_310 = arith.constant 0 : i32
            %dma_start3A_311 = tpu.memref_slice %arg3[%dma_start3A_310, %mul3A_297] : memref<1x600192xi32, #tpu.memory_space<hbm>> -> memref<1x128xi32, #tpu.memory_space<hbm>>
            tpu.enqueue_dma source(%dma_start3A_311 : memref<1x128xi32, #tpu.memory_space<hbm>>) target(%dma_start3A_309 : memref<1x128xi32, #tpu.memory_space<vmem>>) target_semaphore(%dma_start3A_305 : memref<!tpu.dma_semaphore, #tpu.memory_space<semaphore_mem>>)
            "tpu.trace_stop"() : () -> ()
          } else {
          }
          %and3A_191 = arith.constant true
          %and3A_192 = arith.andi %and3A, %and3A_191 : i1
          %add3A_193 = arith.constant 1 : i32
          %add3A_194 = arith.addi %while3A_143, %add3A_193 : i32
          %select_n3A_195 = arith.select %and3A_192, %add3A_194, %while3A_143 : i32
          %ne3A_196 = arith.cmpi ne, %add3A_155, %add3A_173 : i32
          %or3A_197 = arith.constant false
          %or3A_198 = arith.ori %or3A_197, %ne3A_196 : i1
          %or3A_199 = arith.constant false
          %or3A_200 = arith.ori %or3A_198, %or3A_199 : i1
          %sub3A_201 = arith.constant 2 : i32
          %sub3A_202 = arith.subi %mul3A_149, %sub3A_201 : i32
          %add3A_203 = arith.constant 1 : i32
          %add3A_204 = arith.addi %sub3A_202, %add3A_203 : i32
          %ge3A_205 = arith.cmpi sge, %while3A_142, %add3A_204 : i32
          %not3A_206 = arith.constant true
          %not3A_207 = arith.xori %ge3A_205, %not3A_206 : i1
          %and3A_208 = arith.andi %or3A_200, %not3A_207 : i1
          %ne3A_209 = arith.cmpi ne, %add3A_155, %add3A_165 : i32
          %or3A_210 = arith.constant false
          %or3A_211 = arith.ori %or3A_210, %ne3A_209 : i1
          %or3A_212 = arith.ori %or3A_211, %eq3A_151 : i1
          %convert_element_type3A_213 = arith.extui %or3A_212 : i1 to i32
          %cond3A_214 = arith.constant 0 : i32
          %cond3A_215 = arith.cmpi ne, %convert_element_type3A_213, %cond3A_214 : i32
          scf.if %cond3A_215 {
            "tpu.trace_start"() <{level = 10 : i32, message = "ep_wait_in"}> : () -> ()
            %mul3A_294 = arith.constant 128 : i32
            %mul3A_295 = arith.muli %mul3A_294, %add3A_155 : i32
            %rem3A_296 = arith.constant 2 : i32
            %rem3A_297 = arith.remui %while3A_144, %rem3A_296 : i32
            %dma_wait3A = arith.constant 0 : i32
            %dma_wait3A_298 = arith.constant 0 : i32
            %dma_wait3A_299 = tpu.memref_slice %run_scoped3A[%rem3A_297, %dma_wait3A, %dma_wait3A_298] : memref<2x1x128xi32, #tpu.memory_space<vmem>> -> memref<1x1x128xi32, #tpu.memory_space<vmem>>
            %dma_wait3A_300 = tpu.memref_squeeze %dma_wait3A_299 : memref<1x1x128xi32, #tpu.memory_space<vmem>> -> memref<1x128xi32, #tpu.memory_space<vmem>>
            %dma_wait3A_301 = arith.constant 0 : i32
            %dma_wait3A_302 = tpu.memref_slice %arg3[%dma_wait3A_301, %mul3A_295] : memref<1x600192xi32, #tpu.memory_space<hbm>> -> memref<1x128xi32, #tpu.memory_space<hbm>>
            %dma_wait3A_303 = tpu.memref_slice %run_scoped3A_17[%rem3A_297] : memref<2x!tpu.dma_semaphore, #tpu.memory_space<semaphore_mem>> -> memref<1x!tpu.dma_semaphore, #tpu.memory_space<semaphore_mem>>
            %dma_wait3A_304 = tpu.memref_squeeze %dma_wait3A_303 : memref<1x!tpu.dma_semaphore, #tpu.memory_space<semaphore_mem>> -> memref<!tpu.dma_semaphore, #tpu.memory_space<semaphore_mem>>
            %dma_wait3A_305 = arith.constant 0 : i32
            %dma_wait3A_306 = arith.constant 0 : i32
            %dma_wait3A_307 = tpu.memref_slice %run_scoped3A[%rem3A_297, %dma_wait3A_305, %dma_wait3A_306] : memref<2x1x128xi32, #tpu.memory_space<vmem>> -> memref<1x1x128xi32, #tpu.memory_space<vmem>>
            %dma_wait3A_308 = tpu.memref_squeeze %dma_wait3A_307 : memref<1x1x128xi32, #tpu.memory_space<vmem>> -> memref<1x128xi32, #tpu.memory_space<vmem>>
            %dma_wait3A_309 = arith.constant 0 : i32
            %dma_wait3A_310 = tpu.memref_slice %arg3[%dma_wait3A_309, %mul3A_295] : memref<1x600192xi32, #tpu.memory_space<hbm>> -> memref<1x128xi32, #tpu.memory_space<hbm>>
            tpu.wait_dma2 semaphore(%dma_wait3A_304 : memref<!tpu.dma_semaphore, #tpu.memory_space<semaphore_mem>>) src(%dma_wait3A_310 : memref<1x128xi32, #tpu.memory_space<hbm>>) dst(%dma_wait3A_308 : memref<1x128xi32, #tpu.memory_space<vmem>>)
            "tpu.trace_stop"() : () -> ()
          } else {
          }
          %ne3A_216 = arith.cmpi ne, %add3A_155, %add3A_165 : i32
          %or3A_217 = arith.constant false
          %or3A_218 = arith.ori %or3A_217, %ne3A_216 : i1
          %or3A_219 = arith.constant false
          %or3A_220 = arith.ori %or3A_218, %or3A_219 : i1
          %or3A_221 = arith.ori %or3A_220, %eq3A_151 : i1
          %convert_element_type3A_222 = arith.extui %or3A_221 : i1 to i32
          %cond3A_223 = arith.constant 0 : i32
          %cond3A_224 = arith.cmpi ne, %convert_element_type3A_222, %cond3A_223 : i32
          scf.if %cond3A_224 {
          } else {
          }
          %rem3A_225 = arith.constant 2 : i32
          %rem3A_226 = arith.remui %while3A_144, %rem3A_225 : i32
          %rem3A_227 = arith.constant 2 : i32
          %rem3A_228 = arith.remui %while3A_145, %rem3A_227 : i32
          %run_scoped3A_229 = arith.constant 0 : i32
          "tpu.trace_start"() <{level = 10 : i32, message = "ep_run_kernel"}> : () -> ()
          "tpu.region"() ({
            %run_scoped3A_294 = tpu.sem_alloc : memref<!tpu.dma_semaphore, #tpu.memory_space<semaphore_mem>>
            %dma_start3A_295 = arith.constant 0 : i32
            %dma_start3A_296 = arith.constant 0 : i32
            %dma_start3A_297 = tpu.memref_slice %run_scoped3A_18[%rem3A_228, %dma_start3A_295, %dma_start3A_296] : memref<2x128x16xf32, #tpu.memory_space<vmem>> -> memref<1x128x16xf32, #tpu.memory_space<vmem>>
            %dma_start3A_298 = tpu.memref_squeeze %dma_start3A_297 : memref<1x128x16xf32, #tpu.memory_space<vmem>> -> memref<128x16xf32, #tpu.memory_space<vmem>>
            %dma_start3A_299 = arith.constant 0 : i32
            %dma_start3A_300 = arith.constant 0 : i32
            %dma_start3A_301 = tpu.memref_slice %run_scoped3A[%rem3A_226, %dma_start3A_299, %dma_start3A_300] : memref<2x1x128xi32, #tpu.memory_space<vmem>> -> memref<1x1x128xi32, #tpu.memory_space<vmem>>
            %dma_start3A_302 = tpu.memref_squeeze %dma_start3A_301 : memref<1x1x128xi32, #tpu.memory_space<vmem>> -> memref<1x128xi32, #tpu.memory_space<vmem>>
            %dma_start3A_303 = arith.constant 0 : i32
            %dma_start3A_304 = tpu.memref_slice %dma_start3A_302[%run_scoped3A_229, %dma_start3A_303] : memref<1x128xi32, #tpu.memory_space<vmem>> -> memref<1x128xi32, #tpu.memory_space<vmem>>
            %dma_start3A_305 = tpu.memref_squeeze %dma_start3A_304 : memref<1x128xi32, #tpu.memory_space<vmem>> -> memref<128xi32, #tpu.memory_space<vmem>>
            %dma_start3A_306 = arith.constant 0 : i32
            %dma_start3A_307 = arith.constant 0 : i32
            %dma_start3A_308 = tpu.memref_slice %arg2[%dma_start3A_306, %dma_start3A_307] : memref<100000x16xf32, #tpu.memory_space<hbm>> -> memref<100000x16xf32, #tpu.memory_space<hbm>>
            tpu.enqueue_indirect_dma source(%dma_start3A_308 : memref<100000x16xf32, #tpu.memory_space<hbm>>) target(%dma_start3A_298 : memref<128x16xf32, #tpu.memory_space<vmem>>) offsets(%dma_start3A_305 : memref<128xi32, #tpu.memory_space<vmem>>) semaphore(%run_scoped3A_294 : memref<!tpu.dma_semaphore, #tpu.memory_space<semaphore_mem>>)
            %dma_wait3A = arith.constant 0 : i32
            %dma_wait3A_309 = arith.constant 0 : i32
            %dma_wait3A_310 = tpu.memref_slice %run_scoped3A_18[%rem3A_228, %dma_wait3A, %dma_wait3A_309] : memref<2x128x16xf32, #tpu.memory_space<vmem>> -> memref<1x128x16xf32, #tpu.memory_space<vmem>>
            %dma_wait3A_311 = tpu.memref_squeeze %dma_wait3A_310 : memref<1x128x16xf32, #tpu.memory_space<vmem>> -> memref<128x16xf32, #tpu.memory_space<vmem>>
            %dma_wait3A_312 = arith.constant 0 : i32
            %dma_wait3A_313 = arith.constant 0 : i32
            %dma_wait3A_314 = tpu.memref_slice %run_scoped3A[%rem3A_226, %dma_wait3A_312, %dma_wait3A_313] : memref<2x1x128xi32, #tpu.memory_space<vmem>> -> memref<1x1x128xi32, #tpu.memory_space<vmem>>
            %dma_wait3A_315 = tpu.memref_squeeze %dma_wait3A_314 : memref<1x1x128xi32, #tpu.memory_space<vmem>> -> memref<1x128xi32, #tpu.memory_space<vmem>>
            %dma_wait3A_316 = arith.constant 0 : i32
            %dma_wait3A_317 = tpu.memref_slice %dma_wait3A_315[%run_scoped3A_229, %dma_wait3A_316] : memref<1x128xi32, #tpu.memory_space<vmem>> -> memref<1x128xi32, #tpu.memory_space<vmem>>
            %dma_wait3A_318 = tpu.memref_squeeze %dma_wait3A_317 : memref<1x128xi32, #tpu.memory_space<vmem>> -> memref<128xi32, #tpu.memory_space<vmem>>
            %dma_wait3A_319 = arith.constant 0 : i32
            %dma_wait3A_320 = arith.constant 0 : i32
            %dma_wait3A_321 = tpu.memref_slice %arg2[%dma_wait3A_319, %dma_wait3A_320] : memref<100000x16xf32, #tpu.memory_space<hbm>> -> memref<100000x16xf32, #tpu.memory_space<hbm>>
            tpu.wait_indirect_dma semaphore(%run_scoped3A_294 : memref<!tpu.dma_semaphore, #tpu.memory_space<semaphore_mem>>) src(%dma_wait3A_321 : memref<100000x16xf32, #tpu.memory_space<hbm>>) dst(%dma_wait3A_311 : memref<128x16xf32, #tpu.memory_space<vmem>>)
            tpu.yield
          }) : () -> ()
          "tpu.trace_stop"() : () -> ()
          %ne3A_230 = arith.cmpi ne, %add3A_155, %add3A_173 : i32
          %or3A_231 = arith.constant false
          %or3A_232 = arith.ori %or3A_231, %ne3A_230 : i1
          %or3A_233 = arith.ori %or3A_232, %eq3A_154 : i1
          %convert_element_type3A_234 = arith.extui %or3A_233 : i1 to i32
          %cond3A_235 = arith.constant 0 : i32
          %cond3A_236 = arith.cmpi ne, %convert_element_type3A_234, %cond3A_235 : i32
          scf.if %cond3A_236 {
          } else {
          }
          %and3A_237 = arith.constant false
          %and3A_238 = arith.andi %or3A_233, %and3A_237 : i1
          %ne3A_239 = arith.cmpi ne, %add3A_155, %add3A_173 : i32
          %or3A_240 = arith.constant false
          %or3A_241 = arith.ori %or3A_240, %ne3A_239 : i1
          %or3A_242 = arith.constant false
          %or3A_243 = arith.ori %or3A_241, %or3A_242 : i1
          %or3A_244 = arith.ori %or3A_243, %eq3A_154 : i1
          %convert_element_type3A_245 = arith.extui %or3A_244 : i1 to i32
          %cond3A_246 = arith.constant 0 : i32
          %cond3A_247 = arith.cmpi ne, %convert_element_type3A_245, %cond3A_246 : i32
          scf.if %cond3A_247 {
            "tpu.trace_start"() <{level = 10 : i32, message = "ep_copy_out"}> : () -> ()
            %rem3A_294 = arith.constant 2 : i32
            %rem3A_295 = arith.remui %while3A_145, %rem3A_294 : i32
            %mul3A_296 = arith.constant 128 : i32
            %mul3A_297 = arith.muli %mul3A_296, %add3A_155 : i32
            %dma_start3A_298 = arith.constant 0 : i32
            %dma_start3A_299 = arith.constant 0 : i32
            %dma_start3A_300 = tpu.memref_slice %run_scoped3A_18[%rem3A_295, %dma_start3A_298, %dma_start3A_299] : memref<2x128x16xf32, #tpu.memory_space<vmem>> -> memref<1x128x16xf32, #tpu.memory_space<vmem>>
            %dma_start3A_301 = tpu.memref_squeeze %dma_start3A_300 : memref<1x128x16xf32, #tpu.memory_space<vmem>> -> memref<128x16xf32, #tpu.memory_space<vmem>>
            %dma_start3A_302 = arith.constant 0 : i32
            %dma_start3A_303 = tpu.memref_slice %arg4[%mul3A_297, %dma_start3A_302] : memref<600192x16xf32, #tpu.memory_space<hbm>> -> memref<128x16xf32, #tpu.memory_space<hbm>>
            %dma_start3A_304 = tpu.memref_slice %run_scoped3A_19[%rem3A_295] : memref<2x!tpu.dma_semaphore, #tpu.memory_space<semaphore_mem>> -> memref<1x!tpu.dma_semaphore, #tpu.memory_space<semaphore_mem>>
            %dma_start3A_305 = tpu.memref_squeeze %dma_start3A_304 : memref<1x!tpu.dma_semaphore, #tpu.memory_space<semaphore_mem>> -> memref<!tpu.dma_semaphore, #tpu.memory_space<semaphore_mem>>
            %dma_start3A_306 = arith.constant 0 : i32
            %dma_start3A_307 = tpu.memref_slice %arg4[%mul3A_297, %dma_start3A_306] : memref<600192x16xf32, #tpu.memory_space<hbm>> -> memref<128x16xf32, #tpu.memory_space<hbm>>
            %dma_start3A_308 = arith.constant 0 : i32
            %dma_start3A_309 = arith.constant 0 : i32
            %dma_start3A_310 = tpu.memref_slice %run_scoped3A_18[%rem3A_295, %dma_start3A_308, %dma_start3A_309] : memref<2x128x16xf32, #tpu.memory_space<vmem>> -> memref<1x128x16xf32, #tpu.memory_space<vmem>>
            %dma_start3A_311 = tpu.memref_squeeze %dma_start3A_310 : memref<1x128x16xf32, #tpu.memory_space<vmem>> -> memref<128x16xf32, #tpu.memory_space<vmem>>
            tpu.enqueue_dma source(%dma_start3A_311 : memref<128x16xf32, #tpu.memory_space<vmem>>) target(%dma_start3A_307 : memref<128x16xf32, #tpu.memory_space<hbm>>) target_semaphore(%dma_start3A_305 : memref<!tpu.dma_semaphore, #tpu.memory_space<semaphore_mem>>)
            "tpu.trace_stop"() : () -> ()
          } else {
          }
          %and3A_248 = arith.constant true
          %and3A_249 = arith.andi %or3A_244, %and3A_248 : i1
          %add3A_250 = arith.constant 1 : i32
          %add3A_251 = arith.addi %while3A_145, %add3A_250 : i32
          %select_n3A_252 = arith.select %and3A_249, %add3A_251, %while3A_145 : i32
          %ne3A_253 = arith.cmpi ne, %add3A_155, %add3A_165 : i32
          %or3A_254 = arith.constant false
          %or3A_255 = arith.ori %or3A_254, %ne3A_253 : i1
          %not3A_256 = arith.constant true
          %not3A_257 = arith.xori %eq3A_151, %not3A_256 : i1
          %and3A_258 = arith.andi %or3A_255, %not3A_257 : i1
          %convert_element_type3A_259 = arith.extui %and3A_258 : i1 to i32
          %cond3A_260 = arith.constant 0 : i32
          %cond3A_261 = arith.cmpi ne, %convert_element_type3A_259, %cond3A_260 : i32
          scf.if %cond3A_261 {
          } else {
          }
          %and3A_262 = arith.constant false
          %and3A_263 = arith.andi %and3A_258, %and3A_262 : i1
          %ne3A_264 = arith.cmpi ne, %add3A_155, %add3A_165 : i32
          %or3A_265 = arith.constant false
          %or3A_266 = arith.ori %or3A_265, %ne3A_264 : i1
          %or3A_267 = arith.constant false
          %or3A_268 = arith.ori %or3A_266, %or3A_267 : i1
          %not3A_269 = arith.constant true
          %not3A_270 = arith.xori %eq3A_151, %not3A_269 : i1
          %and3A_271 = arith.andi %or3A_268, %not3A_270 : i1
          %convert_element_type3A_272 = arith.extui %and3A_271 : i1 to i32
          %cond3A_273 = arith.constant 0 : i32
          %cond3A_274 = arith.cmpi ne, %convert_element_type3A_272, %cond3A_273 : i32
          scf.if %cond3A_274 {
            "tpu.trace_start"() <{level = 10 : i32, message = "ep_wait_out"}> : () -> ()
            %rem3A_294 = arith.constant 2 : i32
            %rem3A_295 = arith.remui %while3A_146, %rem3A_294 : i32
            %mul3A_296 = arith.constant 128 : i32
            %mul3A_297 = arith.muli %mul3A_296, %add3A_165 : i32
            %dma_wait3A = arith.constant 0 : i32
            %dma_wait3A_298 = arith.constant 0 : i32
            %dma_wait3A_299 = tpu.memref_slice %run_scoped3A_18[%rem3A_295, %dma_wait3A, %dma_wait3A_298] : memref<2x128x16xf32, #tpu.memory_space<vmem>> -> memref<1x128x16xf32, #tpu.memory_space<vmem>>
            %dma_wait3A_300 = tpu.memref_squeeze %dma_wait3A_299 : memref<1x128x16xf32, #tpu.memory_space<vmem>> -> memref<128x16xf32, #tpu.memory_space<vmem>>
            %dma_wait3A_301 = arith.constant 0 : i32
            %dma_wait3A_302 = tpu.memref_slice %arg4[%mul3A_297, %dma_wait3A_301] : memref<600192x16xf32, #tpu.memory_space<hbm>> -> memref<128x16xf32, #tpu.memory_space<hbm>>
            %dma_wait3A_303 = tpu.memref_slice %run_scoped3A_19[%rem3A_295] : memref<2x!tpu.dma_semaphore, #tpu.memory_space<semaphore_mem>> -> memref<1x!tpu.dma_semaphore, #tpu.memory_space<semaphore_mem>>
            %dma_wait3A_304 = tpu.memref_squeeze %dma_wait3A_303 : memref<1x!tpu.dma_semaphore, #tpu.memory_space<semaphore_mem>> -> memref<!tpu.dma_semaphore, #tpu.memory_space<semaphore_mem>>
            %dma_wait3A_305 = arith.constant 0 : i32
            %dma_wait3A_306 = tpu.memref_slice %arg4[%mul3A_297, %dma_wait3A_305] : memref<600192x16xf32, #tpu.memory_space<hbm>> -> memref<128x16xf32, #tpu.memory_space<hbm>>
            %dma_wait3A_307 = arith.constant 0 : i32
            %dma_wait3A_308 = arith.constant 0 : i32
            %dma_wait3A_309 = tpu.memref_slice %run_scoped3A_18[%rem3A_295, %dma_wait3A_307, %dma_wait3A_308] : memref<2x128x16xf32, #tpu.memory_space<vmem>> -> memref<1x128x16xf32, #tpu.memory_space<vmem>>
            %dma_wait3A_310 = tpu.memref_squeeze %dma_wait3A_309 : memref<1x128x16xf32, #tpu.memory_space<vmem>> -> memref<128x16xf32, #tpu.memory_space<vmem>>
            tpu.wait_dma2 semaphore(%dma_wait3A_304 : memref<!tpu.dma_semaphore, #tpu.memory_space<semaphore_mem>>) src(%dma_wait3A_310 : memref<128x16xf32, #tpu.memory_space<vmem>>) dst(%dma_wait3A_306 : memref<128x16xf32, #tpu.memory_space<hbm>>)
            "tpu.trace_stop"() : () -> ()
          } else {
          }
          %and3A_275 = arith.constant true
          %and3A_276 = arith.andi %and3A_271, %and3A_275 : i1
          %add3A_277 = arith.constant 1 : i32
          %add3A_278 = arith.addi %while3A_146, %add3A_277 : i32
          %select_n3A_279 = arith.select %and3A_276, %add3A_278, %while3A_146 : i32
          %ne3A_280 = arith.cmpi ne, %add3A_155, %add3A_173 : i32
          %or3A_281 = arith.constant false
          %or3A_282 = arith.ori %or3A_281, %ne3A_280 : i1
          %or3A_283 = arith.ori %or3A_282, %eq3A_154 : i1
          %add3A_284 = arith.constant 1 : i32
          %add3A_285 = arith.addi %while3A_144, %add3A_284 : i32
          %select_n3A_286 = arith.select %or3A_283, %add3A_285, %while3A_144 : i32
          %add3A_287 = arith.constant 1 : i32
          %add3A_288 = arith.addi %while3A_147, %add3A_287 : i32
          %select_n3A_289 = arith.constant true
          %select_n3A_290 = arith.select %select_n3A_289, %add3A_288, %while3A_147 : i32
          %eq3A_291 = arith.cmpi eq, %select_n3A_290, %select_n3A : i32
          %select_n3A_292 = arith.constant 0 : i32
          %select_n3A_293 = arith.select %eq3A_291, %select_n3A_292, %select_n3A_290 : i32
          scf.yield %select_n3A_195, %select_n3A_286, %select_n3A_252, %select_n3A_279, %select_n3A_293 : i32, i32, i32, i32, i32
        }
        %while3A_89 = arith.constant 1 : i32
        %while3A_90:5 = scf.for %while3A_142 = %while3A_86 to %while3A_82 step %while3A_89 iter_args(%while3A_143 = %while3A_88#0, %while3A_144 = %while3A_88#1, %while3A_145 = %while3A_88#2, %while3A_146 = %while3A_88#3, %while3A_147 = %while3A_88#4) -> (i32, i32, i32, i32, i32)  : i32 {
          %mul3A_148 = arith.constant 1 : i32
          %mul3A_149 = arith.muli %mul3A_148, %select_n3A : i32
          %eq3A_150 = arith.constant 0 : i32
          %eq3A_151 = arith.cmpi eq, %while3A_142, %eq3A_150 : i32
          %sub3A_152 = arith.constant 1 : i32
          %sub3A_153 = arith.subi %mul3A_149, %sub3A_152 : i32
          %eq3A_154 = arith.cmpi eq, %while3A_142, %sub3A_153 : i32
          %add3A_155 = arith.addi %while3A_147, %select_n3A_14 : i32
          %sub3A_156 = arith.constant 1 : i32
          %sub3A_157 = arith.subi %while3A_147, %sub3A_156 : i32
          %select_n3A_158 = arith.constant true
          %select_n3A_159 = arith.select %select_n3A_158, %sub3A_157, %while3A_147 : i32
          %eq3A_160 = arith.constant -1 : i32
          %eq3A_161 = arith.cmpi eq, %select_n3A_159, %eq3A_160 : i32
          %sub3A_162 = arith.constant 1 : i32
          %sub3A_163 = arith.subi %select_n3A, %sub3A_162 : i32
          %select_n3A_164 = arith.select %eq3A_161, %sub3A_163, %select_n3A_159 : i32
          %add3A_165 = arith.addi %select_n3A_164, %select_n3A_14 : i32
          %add3A_166 = arith.constant 1 : i32
          %add3A_167 = arith.addi %while3A_147, %add3A_166 : i32
          %select_n3A_168 = arith.constant true
          %select_n3A_169 = arith.select %select_n3A_168, %add3A_167, %while3A_147 : i32
          %eq3A_170 = arith.cmpi eq, %select_n3A_169, %select_n3A : i32
          %select_n3A_171 = arith.constant 0 : i32
          %select_n3A_172 = arith.select %eq3A_170, %select_n3A_171, %select_n3A_169 : i32
          %add3A_173 = arith.addi %select_n3A_172, %select_n3A_14 : i32
          %add3A_174 = arith.constant 1 : i32
          %add3A_175 = arith.addi %select_n3A_172, %add3A_174 : i32
          %select_n3A_176 = arith.constant true
          %select_n3A_177 = arith.select %select_n3A_176, %add3A_175, %select_n3A_172 : i32
          %eq3A_178 = arith.cmpi eq, %select_n3A_177, %select_n3A : i32
          %select_n3A_179 = arith.constant 0 : i32
          %select_n3A_180 = arith.select %eq3A_178, %select_n3A_179, %select_n3A_177 : i32
          %add3A_181 = arith.addi %select_n3A_180, %select_n3A_14 : i32
          %ne3A = arith.cmpi ne, %add3A_155, %add3A_173 : i32
          %or3A = arith.constant false
          %or3A_182 = arith.ori %or3A, %ne3A : i1
          %sub3A_183 = arith.constant 2 : i32
          %sub3A_184 = arith.subi %mul3A_149, %sub3A_183 : i32
          %add3A_185 = arith.constant 1 : i32
          %add3A_186 = arith.addi %sub3A_184, %add3A_185 : i32
          %ge3A = arith.cmpi sge, %while3A_142, %add3A_186 : i32
          %not3A = arith.constant true
          %not3A_187 = arith.xori %ge3A, %not3A : i1
          %and3A = arith.andi %or3A_182, %not3A_187 : i1
          %convert_element_type3A_188 = arith.extui %and3A : i1 to i32
          %cond3A_189 = arith.constant 0 : i32
          %cond3A_190 = arith.cmpi ne, %convert_element_type3A_188, %cond3A_189 : i32
          scf.if %cond3A_190 {
            "tpu.trace_start"() <{level = 10 : i32, message = "ep_copy_in"}> : () -> ()
            %rem3A_294 = arith.constant 2 : i32
            %rem3A_295 = arith.remui %while3A_143, %rem3A_294 : i32
            %mul3A_296 = arith.constant 128 : i32
            %mul3A_297 = arith.muli %mul3A_296, %add3A_173 : i32
            %dma_start3A_298 = arith.constant 0 : i32
            %dma_start3A_299 = arith.constant 0 : i32
            %dma_start3A_300 = tpu.memref_slice %run_scoped3A[%rem3A_295, %dma_start3A_298, %dma_start3A_299] : memref<2x1x128xi32, #tpu.memory_space<vmem>> -> memref<1x1x128xi32, #tpu.memory_space<vmem>>
            %dma_start3A_301 = tpu.memref_squeeze %dma_start3A_300 : memref<1x1x128xi32, #tpu.memory_space<vmem>> -> memref<1x128xi32, #tpu.memory_space<vmem>>
            %dma_start3A_302 = arith.constant 0 : i32
            %dma_start3A_303 = tpu.memref_slice %arg3[%dma_start3A_302, %mul3A_297] : memref<1x600192xi32, #tpu.memory_space<hbm>> -> memref<1x128xi32, #tpu.memory_space<hbm>>
            %dma_start3A_304 = tpu.memref_slice %run_scoped3A_17[%rem3A_295] : memref<2x!tpu.dma_semaphore, #tpu.memory_space<semaphore_mem>> -> memref<1x!tpu.dma_semaphore, #tpu.memory_space<semaphore_mem>>
            %dma_start3A_305 = tpu.memref_squeeze %dma_start3A_304 : memref<1x!tpu.dma_semaphore, #tpu.memory_space<semaphore_mem>> -> memref<!tpu.dma_semaphore, #tpu.memory_space<semaphore_mem>>
            %dma_start3A_306 = arith.constant 0 : i32
            %dma_start3A_307 = arith.constant 0 : i32
            %dma_start3A_308 = tpu.memref_slice %run_scoped3A[%rem3A_295, %dma_start3A_306, %dma_start3A_307] : memref<2x1x128xi32, #tpu.memory_space<vmem>> -> memref<1x1x128xi32, #tpu.memory_space<vmem>>
            %dma_start3A_309 = tpu.memref_squeeze %dma_start3A_308 : memref<1x1x128xi32, #tpu.memory_space<vmem>> -> memref<1x128xi32, #tpu.memory_space<vmem>>
            %dma_start3A_310 = arith.constant 0 : i32
            %dma_start3A_311 = tpu.memref_slice %arg3[%dma_start3A_310, %mul3A_297] : memref<1x600192xi32, #tpu.memory_space<hbm>> -> memref<1x128xi32, #tpu.memory_space<hbm>>
            tpu.enqueue_dma source(%dma_start3A_311 : memref<1x128xi32, #tpu.memory_space<hbm>>) target(%dma_start3A_309 : memref<1x128xi32, #tpu.memory_space<vmem>>) target_semaphore(%dma_start3A_305 : memref<!tpu.dma_semaphore, #tpu.memory_space<semaphore_mem>>)
            "tpu.trace_stop"() : () -> ()
          } else {
          }
          %and3A_191 = arith.constant true
          %and3A_192 = arith.andi %and3A, %and3A_191 : i1
          %add3A_193 = arith.constant 1 : i32
          %add3A_194 = arith.addi %while3A_143, %add3A_193 : i32
          %select_n3A_195 = arith.select %and3A_192, %add3A_194, %while3A_143 : i32
          %ne3A_196 = arith.cmpi ne, %add3A_155, %add3A_173 : i32
          %or3A_197 = arith.constant false
          %or3A_198 = arith.ori %or3A_197, %ne3A_196 : i1
          %or3A_199 = arith.constant false
          %or3A_200 = arith.ori %or3A_198, %or3A_199 : i1
          %sub3A_201 = arith.constant 2 : i32
          %sub3A_202 = arith.subi %mul3A_149, %sub3A_201 : i32
          %add3A_203 = arith.constant 1 : i32
          %add3A_204 = arith.addi %sub3A_202, %add3A_203 : i32
          %ge3A_205 = arith.cmpi sge, %while3A_142, %add3A_204 : i32
          %not3A_206 = arith.constant true
          %not3A_207 = arith.xori %ge3A_205, %not3A_206 : i1
          %and3A_208 = arith.andi %or3A_200, %not3A_207 : i1
          %ne3A_209 = arith.cmpi ne, %add3A_155, %add3A_165 : i32
          %or3A_210 = arith.constant false
          %or3A_211 = arith.ori %or3A_210, %ne3A_209 : i1
          %or3A_212 = arith.ori %or3A_211, %eq3A_151 : i1
          %convert_element_type3A_213 = arith.extui %or3A_212 : i1 to i32
          %cond3A_214 = arith.constant 0 : i32
          %cond3A_215 = arith.cmpi ne, %convert_element_type3A_213, %cond3A_214 : i32
          scf.if %cond3A_215 {
            "tpu.trace_start"() <{level = 10 : i32, message = "ep_wait_in"}> : () -> ()
            %mul3A_294 = arith.constant 128 : i32
            %mul3A_295 = arith.muli %mul3A_294, %add3A_155 : i32
            %rem3A_296 = arith.constant 2 : i32
            %rem3A_297 = arith.remui %while3A_144, %rem3A_296 : i32
            %dma_wait3A = arith.constant 0 : i32
            %dma_wait3A_298 = arith.constant 0 : i32
            %dma_wait3A_299 = tpu.memref_slice %run_scoped3A[%rem3A_297, %dma_wait3A, %dma_wait3A_298] : memref<2x1x128xi32, #tpu.memory_space<vmem>> -> memref<1x1x128xi32, #tpu.memory_space<vmem>>
            %dma_wait3A_300 = tpu.memref_squeeze %dma_wait3A_299 : memref<1x1x128xi32, #tpu.memory_space<vmem>> -> memref<1x128xi32, #tpu.memory_space<vmem>>
            %dma_wait3A_301 = arith.constant 0 : i32
            %dma_wait3A_302 = tpu.memref_slice %arg3[%dma_wait3A_301, %mul3A_295] : memref<1x600192xi32, #tpu.memory_space<hbm>> -> memref<1x128xi32, #tpu.memory_space<hbm>>
            %dma_wait3A_303 = tpu.memref_slice %run_scoped3A_17[%rem3A_297] : memref<2x!tpu.dma_semaphore, #tpu.memory_space<semaphore_mem>> -> memref<1x!tpu.dma_semaphore, #tpu.memory_space<semaphore_mem>>
            %dma_wait3A_304 = tpu.memref_squeeze %dma_wait3A_303 : memref<1x!tpu.dma_semaphore, #tpu.memory_space<semaphore_mem>> -> memref<!tpu.dma_semaphore, #tpu.memory_space<semaphore_mem>>
            %dma_wait3A_305 = arith.constant 0 : i32
            %dma_wait3A_306 = arith.constant 0 : i32
            %dma_wait3A_307 = tpu.memref_slice %run_scoped3A[%rem3A_297, %dma_wait3A_305, %dma_wait3A_306] : memref<2x1x128xi32, #tpu.memory_space<vmem>> -> memref<1x1x128xi32, #tpu.memory_space<vmem>>
            %dma_wait3A_308 = tpu.memref_squeeze %dma_wait3A_307 : memref<1x1x128xi32, #tpu.memory_space<vmem>> -> memref<1x128xi32, #tpu.memory_space<vmem>>
            %dma_wait3A_309 = arith.constant 0 : i32
            %dma_wait3A_310 = tpu.memref_slice %arg3[%dma_wait3A_309, %mul3A_295] : memref<1x600192xi32, #tpu.memory_space<hbm>> -> memref<1x128xi32, #tpu.memory_space<hbm>>
            tpu.wait_dma2 semaphore(%dma_wait3A_304 : memref<!tpu.dma_semaphore, #tpu.memory_space<semaphore_mem>>) src(%dma_wait3A_310 : memref<1x128xi32, #tpu.memory_space<hbm>>) dst(%dma_wait3A_308 : memref<1x128xi32, #tpu.memory_space<vmem>>)
            "tpu.trace_stop"() : () -> ()
          } else {
          }
          %ne3A_216 = arith.cmpi ne, %add3A_155, %add3A_165 : i32
          %or3A_217 = arith.constant false
          %or3A_218 = arith.ori %or3A_217, %ne3A_216 : i1
          %or3A_219 = arith.constant false
          %or3A_220 = arith.ori %or3A_218, %or3A_219 : i1
          %or3A_221 = arith.ori %or3A_220, %eq3A_151 : i1
          %convert_element_type3A_222 = arith.extui %or3A_221 : i1 to i32
          %cond3A_223 = arith.constant 0 : i32
          %cond3A_224 = arith.cmpi ne, %convert_element_type3A_222, %cond3A_223 : i32
          scf.if %cond3A_224 {
          } else {
          }
          %rem3A_225 = arith.constant 2 : i32
          %rem3A_226 = arith.remui %while3A_144, %rem3A_225 : i32
          %rem3A_227 = arith.constant 2 : i32
          %rem3A_228 = arith.remui %while3A_145, %rem3A_227 : i32
          %run_scoped3A_229 = arith.constant 0 : i32
          "tpu.trace_start"() <{level = 10 : i32, message = "ep_run_kernel"}> : () -> ()
          "tpu.region"() ({
            %run_scoped3A_294 = tpu.sem_alloc : memref<!tpu.dma_semaphore, #tpu.memory_space<semaphore_mem>>
            %dma_start3A_295 = arith.constant 0 : i32
            %dma_start3A_296 = arith.constant 0 : i32
            %dma_start3A_297 = tpu.memref_slice %run_scoped3A_18[%rem3A_228, %dma_start3A_295, %dma_start3A_296] : memref<2x128x16xf32, #tpu.memory_space<vmem>> -> memref<1x128x16xf32, #tpu.memory_space<vmem>>
            %dma_start3A_298 = tpu.memref_squeeze %dma_start3A_297 : memref<1x128x16xf32, #tpu.memory_space<vmem>> -> memref<128x16xf32, #tpu.memory_space<vmem>>
            %dma_start3A_299 = arith.constant 0 : i32
            %dma_start3A_300 = arith.constant 0 : i32
            %dma_start3A_301 = tpu.memref_slice %run_scoped3A[%rem3A_226, %dma_start3A_299, %dma_start3A_300] : memref<2x1x128xi32, #tpu.memory_space<vmem>> -> memref<1x1x128xi32, #tpu.memory_space<vmem>>
            %dma_start3A_302 = tpu.memref_squeeze %dma_start3A_301 : memref<1x1x128xi32, #tpu.memory_space<vmem>> -> memref<1x128xi32, #tpu.memory_space<vmem>>
            %dma_start3A_303 = arith.constant 0 : i32
            %dma_start3A_304 = tpu.memref_slice %dma_start3A_302[%run_scoped3A_229, %dma_start3A_303] : memref<1x128xi32, #tpu.memory_space<vmem>> -> memref<1x128xi32, #tpu.memory_space<vmem>>
            %dma_start3A_305 = tpu.memref_squeeze %dma_start3A_304 : memref<1x128xi32, #tpu.memory_space<vmem>> -> memref<128xi32, #tpu.memory_space<vmem>>
            %dma_start3A_306 = arith.constant 0 : i32
            %dma_start3A_307 = arith.constant 0 : i32
            %dma_start3A_308 = tpu.memref_slice %arg2[%dma_start3A_306, %dma_start3A_307] : memref<100000x16xf32, #tpu.memory_space<hbm>> -> memref<100000x16xf32, #tpu.memory_space<hbm>>
            tpu.enqueue_indirect_dma source(%dma_start3A_308 : memref<100000x16xf32, #tpu.memory_space<hbm>>) target(%dma_start3A_298 : memref<128x16xf32, #tpu.memory_space<vmem>>) offsets(%dma_start3A_305 : memref<128xi32, #tpu.memory_space<vmem>>) semaphore(%run_scoped3A_294 : memref<!tpu.dma_semaphore, #tpu.memory_space<semaphore_mem>>)
            %dma_wait3A = arith.constant 0 : i32
            %dma_wait3A_309 = arith.constant 0 : i32
            %dma_wait3A_310 = tpu.memref_slice %run_scoped3A_18[%rem3A_228, %dma_wait3A, %dma_wait3A_309] : memref<2x128x16xf32, #tpu.memory_space<vmem>> -> memref<1x128x16xf32, #tpu.memory_space<vmem>>
            %dma_wait3A_311 = tpu.memref_squeeze %dma_wait3A_310 : memref<1x128x16xf32, #tpu.memory_space<vmem>> -> memref<128x16xf32, #tpu.memory_space<vmem>>
            %dma_wait3A_312 = arith.constant 0 : i32
            %dma_wait3A_313 = arith.constant 0 : i32
            %dma_wait3A_314 = tpu.memref_slice %run_scoped3A[%rem3A_226, %dma_wait3A_312, %dma_wait3A_313] : memref<2x1x128xi32, #tpu.memory_space<vmem>> -> memref<1x1x128xi32, #tpu.memory_space<vmem>>
            %dma_wait3A_315 = tpu.memref_squeeze %dma_wait3A_314 : memref<1x1x128xi32, #tpu.memory_space<vmem>> -> memref<1x128xi32, #tpu.memory_space<vmem>>
            %dma_wait3A_316 = arith.constant 0 : i32
            %dma_wait3A_317 = tpu.memref_slice %dma_wait3A_315[%run_scoped3A_229, %dma_wait3A_316] : memref<1x128xi32, #tpu.memory_space<vmem>> -> memref<1x128xi32, #tpu.memory_space<vmem>>
            %dma_wait3A_318 = tpu.memref_squeeze %dma_wait3A_317 : memref<1x128xi32, #tpu.memory_space<vmem>> -> memref<128xi32, #tpu.memory_space<vmem>>
            %dma_wait3A_319 = arith.constant 0 : i32
            %dma_wait3A_320 = arith.constant 0 : i32
            %dma_wait3A_321 = tpu.memref_slice %arg2[%dma_wait3A_319, %dma_wait3A_320] : memref<100000x16xf32, #tpu.memory_space<hbm>> -> memref<100000x16xf32, #tpu.memory_space<hbm>>
            tpu.wait_indirect_dma semaphore(%run_scoped3A_294 : memref<!tpu.dma_semaphore, #tpu.memory_space<semaphore_mem>>) src(%dma_wait3A_321 : memref<100000x16xf32, #tpu.memory_space<hbm>>) dst(%dma_wait3A_311 : memref<128x16xf32, #tpu.memory_space<vmem>>)
            tpu.yield
          }) : () -> ()
          "tpu.trace_stop"() : () -> ()
          %ne3A_230 = arith.cmpi ne, %add3A_155, %add3A_173 : i32
          %or3A_231 = arith.constant false
          %or3A_232 = arith.ori %or3A_231, %ne3A_230 : i1
          %or3A_233 = arith.ori %or3A_232, %eq3A_154 : i1
          %convert_element_type3A_234 = arith.extui %or3A_233 : i1 to i32
          %cond3A_235 = arith.constant 0 : i32
          %cond3A_236 = arith.cmpi ne, %convert_element_type3A_234, %cond3A_235 : i32
          scf.if %cond3A_236 {
          } else {
          }
          %and3A_237 = arith.constant false
          %and3A_238 = arith.andi %or3A_233, %and3A_237 : i1
          %ne3A_239 = arith.cmpi ne, %add3A_155, %add3A_173 : i32
          %or3A_240 = arith.constant false
          %or3A_241 = arith.ori %or3A_240, %ne3A_239 : i1
          %or3A_242 = arith.constant false
          %or3A_243 = arith.ori %or3A_241, %or3A_242 : i1
          %or3A_244 = arith.ori %or3A_243, %eq3A_154 : i1
          %convert_element_type3A_245 = arith.extui %or3A_244 : i1 to i32
          %cond3A_246 = arith.constant 0 : i32
          %cond3A_247 = arith.cmpi ne, %convert_element_type3A_245, %cond3A_246 : i32
          scf.if %cond3A_247 {
            "tpu.trace_start"() <{level = 10 : i32, message = "ep_copy_out"}> : () -> ()
            %rem3A_294 = arith.constant 2 : i32
            %rem3A_295 = arith.remui %while3A_145, %rem3A_294 : i32
            %mul3A_296 = arith.constant 128 : i32
            %mul3A_297 = arith.muli %mul3A_296, %add3A_155 : i32
            %dma_start3A_298 = arith.constant 0 : i32
            %dma_start3A_299 = arith.constant 0 : i32
            %dma_start3A_300 = tpu.memref_slice %run_scoped3A_18[%rem3A_295, %dma_start3A_298, %dma_start3A_299] : memref<2x128x16xf32, #tpu.memory_space<vmem>> -> memref<1x128x16xf32, #tpu.memory_space<vmem>>
            %dma_start3A_301 = tpu.memref_squeeze %dma_start3A_300 : memref<1x128x16xf32, #tpu.memory_space<vmem>> -> memref<128x16xf32, #tpu.memory_space<vmem>>
            %dma_start3A_302 = arith.constant 0 : i32
            %dma_start3A_303 = tpu.memref_slice %arg4[%mul3A_297, %dma_start3A_302] : memref<600192x16xf32, #tpu.memory_space<hbm>> -> memref<128x16xf32, #tpu.memory_space<hbm>>
            %dma_start3A_304 = tpu.memref_slice %run_scoped3A_19[%rem3A_295] : memref<2x!tpu.dma_semaphore, #tpu.memory_space<semaphore_mem>> -> memref<1x!tpu.dma_semaphore, #tpu.memory_space<semaphore_mem>>
            %dma_start3A_305 = tpu.memref_squeeze %dma_start3A_304 : memref<1x!tpu.dma_semaphore, #tpu.memory_space<semaphore_mem>> -> memref<!tpu.dma_semaphore, #tpu.memory_space<semaphore_mem>>
            %dma_start3A_306 = arith.constant 0 : i32
            %dma_start3A_307 = tpu.memref_slice %arg4[%mul3A_297, %dma_start3A_306] : memref<600192x16xf32, #tpu.memory_space<hbm>> -> memref<128x16xf32, #tpu.memory_space<hbm>>
            %dma_start3A_308 = arith.constant 0 : i32
            %dma_start3A_309 = arith.constant 0 : i32
            %dma_start3A_310 = tpu.memref_slice %run_scoped3A_18[%rem3A_295, %dma_start3A_308, %dma_start3A_309] : memref<2x128x16xf32, #tpu.memory_space<vmem>> -> memref<1x128x16xf32, #tpu.memory_space<vmem>>
            %dma_start3A_311 = tpu.memref_squeeze %dma_start3A_310 : memref<1x128x16xf32, #tpu.memory_space<vmem>> -> memref<128x16xf32, #tpu.memory_space<vmem>>
            tpu.enqueue_dma source(%dma_start3A_311 : memref<128x16xf32, #tpu.memory_space<vmem>>) target(%dma_start3A_307 : memref<128x16xf32, #tpu.memory_space<hbm>>) target_semaphore(%dma_start3A_305 : memref<!tpu.dma_semaphore, #tpu.memory_space<semaphore_mem>>)
            "tpu.trace_stop"() : () -> ()
          } else {
          }
          %and3A_248 = arith.constant true
          %and3A_249 = arith.andi %or3A_244, %and3A_248 : i1
          %add3A_250 = arith.constant 1 : i32
          %add3A_251 = arith.addi %while3A_145, %add3A_250 : i32
          %select_n3A_252 = arith.select %and3A_249, %add3A_251, %while3A_145 : i32
          %ne3A_253 = arith.cmpi ne, %add3A_155, %add3A_165 : i32
          %or3A_254 = arith.constant false
          %or3A_255 = arith.ori %or3A_254, %ne3A_253 : i1
          %not3A_256 = arith.constant true
          %not3A_257 = arith.xori %eq3A_151, %not3A_256 : i1
          %and3A_258 = arith.andi %or3A_255, %not3A_257 : i1
          %convert_element_type3A_259 = arith.extui %and3A_258 : i1 to i32
          %cond3A_260 = arith.constant 0 : i32
          %cond3A_261 = arith.cmpi ne, %convert_element_type3A_259, %cond3A_260 : i32
          scf.if %cond3A_261 {
          } else {
          }
          %and3A_262 = arith.constant false
          %and3A_263 = arith.andi %and3A_258, %and3A_262 : i1
          %ne3A_264 = arith.cmpi ne, %add3A_155, %add3A_165 : i32
          %or3A_265 = arith.constant false
          %or3A_266 = arith.ori %or3A_265, %ne3A_264 : i1
          %or3A_267 = arith.constant false
          %or3A_268 = arith.ori %or3A_266, %or3A_267 : i1
          %not3A_269 = arith.constant true
          %not3A_270 = arith.xori %eq3A_151, %not3A_269 : i1
          %and3A_271 = arith.andi %or3A_268, %not3A_270 : i1
          %convert_element_type3A_272 = arith.extui %and3A_271 : i1 to i32
          %cond3A_273 = arith.constant 0 : i32
          %cond3A_274 = arith.cmpi ne, %convert_element_type3A_272, %cond3A_273 : i32
          scf.if %cond3A_274 {
            "tpu.trace_start"() <{level = 10 : i32, message = "ep_wait_out"}> : () -> ()
            %rem3A_294 = arith.constant 2 : i32
            %rem3A_295 = arith.remui %while3A_146, %rem3A_294 : i32
            %mul3A_296 = arith.constant 128 : i32
            %mul3A_297 = arith.muli %mul3A_296, %add3A_165 : i32
            %dma_wait3A = arith.constant 0 : i32
            %dma_wait3A_298 = arith.constant 0 : i32
            %dma_wait3A_299 = tpu.memref_slice %run_scoped3A_18[%rem3A_295, %dma_wait3A, %dma_wait3A_298] : memref<2x128x16xf32, #tpu.memory_space<vmem>> -> memref<1x128x16xf32, #tpu.memory_space<vmem>>
            %dma_wait3A_300 = tpu.memref_squeeze %dma_wait3A_299 : memref<1x128x16xf32, #tpu.memory_space<vmem>> -> memref<128x16xf32, #tpu.memory_space<vmem>>
            %dma_wait3A_301 = arith.constant 0 : i32
            %dma_wait3A_302 = tpu.memref_slice %arg4[%mul3A_297, %dma_wait3A_301] : memref<600192x16xf32, #tpu.memory_space<hbm>> -> memref<128x16xf32, #tpu.memory_space<hbm>>
            %dma_wait3A_303 = tpu.memref_slice %run_scoped3A_19[%rem3A_295] : memref<2x!tpu.dma_semaphore, #tpu.memory_space<semaphore_mem>> -> memref<1x!tpu.dma_semaphore, #tpu.memory_space<semaphore_mem>>
            %dma_wait3A_304 = tpu.memref_squeeze %dma_wait3A_303 : memref<1x!tpu.dma_semaphore, #tpu.memory_space<semaphore_mem>> -> memref<!tpu.dma_semaphore, #tpu.memory_space<semaphore_mem>>
            %dma_wait3A_305 = arith.constant 0 : i32
            %dma_wait3A_306 = tpu.memref_slice %arg4[%mul3A_297, %dma_wait3A_305] : memref<600192x16xf32, #tpu.memory_space<hbm>> -> memref<128x16xf32, #tpu.memory_space<hbm>>
            %dma_wait3A_307 = arith.constant 0 : i32
            %dma_wait3A_308 = arith.constant 0 : i32
            %dma_wait3A_309 = tpu.memref_slice %run_scoped3A_18[%rem3A_295, %dma_wait3A_307, %dma_wait3A_308] : memref<2x128x16xf32, #tpu.memory_space<vmem>> -> memref<1x128x16xf32, #tpu.memory_space<vmem>>
            %dma_wait3A_310 = tpu.memref_squeeze %dma_wait3A_309 : memref<1x128x16xf32, #tpu.memory_space<vmem>> -> memref<128x16xf32, #tpu.memory_space<vmem>>
            tpu.wait_dma2 semaphore(%dma_wait3A_304 : memref<!tpu.dma_semaphore, #tpu.memory_space<semaphore_mem>>) src(%dma_wait3A_310 : memref<128x16xf32, #tpu.memory_space<vmem>>) dst(%dma_wait3A_306 : memref<128x16xf32, #tpu.memory_space<hbm>>)
            "tpu.trace_stop"() : () -> ()
          } else {
          }
          %and3A_275 = arith.constant true
          %and3A_276 = arith.andi %and3A_271, %and3A_275 : i1
          %add3A_277 = arith.constant 1 : i32
          %add3A_278 = arith.addi %while3A_146, %add3A_277 : i32
          %select_n3A_279 = arith.select %and3A_276, %add3A_278, %while3A_146 : i32
          %ne3A_280 = arith.cmpi ne, %add3A_155, %add3A_173 : i32
          %or3A_281 = arith.constant false
          %or3A_282 = arith.ori %or3A_281, %ne3A_280 : i1
          %or3A_283 = arith.ori %or3A_282, %eq3A_154 : i1
          %add3A_284 = arith.constant 1 : i32
          %add3A_285 = arith.addi %while3A_144, %add3A_284 : i32
          %select_n3A_286 = arith.select %or3A_283, %add3A_285, %while3A_144 : i32
          %add3A_287 = arith.constant 1 : i32
          %add3A_288 = arith.addi %while3A_147, %add3A_287 : i32
          %select_n3A_289 = arith.constant true
          %select_n3A_290 = arith.select %select_n3A_289, %add3A_288, %while3A_147 : i32
          %eq3A_291 = arith.cmpi eq, %select_n3A_290, %select_n3A : i32
          %select_n3A_292 = arith.constant 0 : i32
          %select_n3A_293 = arith.select %eq3A_291, %select_n3A_292, %select_n3A_290 : i32
          scf.yield %select_n3A_195, %select_n3A_286, %select_n3A_252, %select_n3A_279, %select_n3A_293 : i32, i32, i32, i32, i32
        }
        %sub3A_91 = arith.constant 1 : i32
        %sub3A_92 = arith.subi %while3A_90#4, %sub3A_91 : i32
        %select_n3A_93 = arith.constant true
        %select_n3A_94 = arith.select %select_n3A_93, %sub3A_92, %while3A_90#4 : i32
        %eq3A_95 = arith.constant -1 : i32
        %eq3A_96 = arith.cmpi eq, %select_n3A_94, %eq3A_95 : i32
        %sub3A_97 = arith.constant 1 : i32
        %sub3A_98 = arith.subi %select_n3A, %sub3A_97 : i32
        %select_n3A_99 = arith.select %eq3A_96, %sub3A_98, %select_n3A_94 : i32
        %sub3A_100 = arith.constant 1 : i32
        %sub3A_101 = arith.subi %mul3A_16, %sub3A_100 : i32
        %mul3A_102 = arith.constant 1 : i32
        %mul3A_103 = arith.muli %mul3A_102, %select_n3A : i32
        %eq3A_104 = arith.constant 0 : i32
        %eq3A_105 = arith.cmpi eq, %sub3A_101, %eq3A_104 : i32
        %sub3A_106 = arith.constant 1 : i32
        %sub3A_107 = arith.subi %mul3A_103, %sub3A_106 : i32
        %eq3A_108 = arith.cmpi eq, %sub3A_101, %sub3A_107 : i32
        %add3A_109 = arith.addi %select_n3A_99, %select_n3A_14 : i32
        %sub3A_110 = arith.constant 1 : i32
        %sub3A_111 = arith.subi %select_n3A_99, %sub3A_110 : i32
        %select_n3A_112 = arith.constant true
        %select_n3A_113 = arith.select %select_n3A_112, %sub3A_111, %select_n3A_99 : i32
        %eq3A_114 = arith.constant -1 : i32
        %eq3A_115 = arith.cmpi eq, %select_n3A_113, %eq3A_114 : i32
        %sub3A_116 = arith.constant 1 : i32
        %sub3A_117 = arith.subi %select_n3A, %sub3A_116 : i32
        %select_n3A_118 = arith.select %eq3A_115, %sub3A_117, %select_n3A_113 : i32
        %add3A_119 = arith.addi %select_n3A_118, %select_n3A_14 : i32
        %add3A_120 = arith.constant 1 : i32
        %add3A_121 = arith.addi %select_n3A_99, %add3A_120 : i32
        %select_n3A_122 = arith.constant true
        %select_n3A_123 = arith.select %select_n3A_122, %add3A_121, %select_n3A_99 : i32
        %eq3A_124 = arith.cmpi eq, %select_n3A_123, %select_n3A : i32
        %select_n3A_125 = arith.constant 0 : i32
        %select_n3A_126 = arith.select %eq3A_124, %select_n3A_125, %select_n3A_123 : i32
        %add3A_127 = arith.addi %select_n3A_126, %select_n3A_14 : i32
        %add3A_128 = arith.constant 1 : i32
        %add3A_129 = arith.addi %select_n3A_126, %add3A_128 : i32
        %select_n3A_130 = arith.constant true
        %select_n3A_131 = arith.select %select_n3A_130, %add3A_129, %select_n3A_126 : i32
        %eq3A_132 = arith.cmpi eq, %select_n3A_131, %select_n3A : i32
        %select_n3A_133 = arith.constant 0 : i32
        %select_n3A_134 = arith.select %eq3A_132, %select_n3A_133, %select_n3A_131 : i32
        %add3A_135 = arith.addi %select_n3A_134, %select_n3A_14 : i32
        %convert_element_type3A_136 = arith.extui %eq3A_108 : i1 to i32
        %cond3A_137 = arith.constant 0 : i32
        %cond3A_138 = arith.cmpi ne, %convert_element_type3A_136, %cond3A_137 : i32
        scf.if %cond3A_138 {
        } else {
        }
        %convert_element_type3A_139 = arith.extui %eq3A_108 : i1 to i32
        %cond3A_140 = arith.constant 0 : i32
        %cond3A_141 = arith.cmpi ne, %convert_element_type3A_139, %cond3A_140 : i32
        scf.if %cond3A_141 {
          "tpu.trace_start"() <{level = 10 : i32, message = "ep_finalize"}> : () -> ()
          %rem3A_142 = arith.constant 2 : i32
          %rem3A_143 = arith.remui %while3A_90#3, %rem3A_142 : i32
          %mul3A_144 = arith.constant 128 : i32
          %mul3A_145 = arith.muli %mul3A_144, %add3A_109 : i32
          %dma_wait3A = arith.constant 0 : i32
          %dma_wait3A_146 = arith.constant 0 : i32
          %dma_wait3A_147 = tpu.memref_slice %run_scoped3A_18[%rem3A_143, %dma_wait3A, %dma_wait3A_146] : memref<2x128x16xf32, #tpu.memory_space<vmem>> -> memref<1x128x16xf32, #tpu.memory_space<vmem>>
          %dma_wait3A_148 = tpu.memref_squeeze %dma_wait3A_147 : memref<1x128x16xf32, #tpu.memory_space<vmem>> -> memref<128x16xf32, #tpu.memory_space<vmem>>
          %dma_wait3A_149 = arith.constant 0 : i32
          %dma_wait3A_150 = tpu.memref_slice %arg4[%mul3A_145, %dma_wait3A_149] : memref<600192x16xf32, #tpu.memory_space<hbm>> -> memref<128x16xf32, #tpu.memory_space<hbm>>
          %dma_wait3A_151 = tpu.memref_slice %run_scoped3A_19[%rem3A_143] : memref<2x!tpu.dma_semaphore, #tpu.memory_space<semaphore_mem>> -> memref<1x!tpu.dma_semaphore, #tpu.memory_space<semaphore_mem>>
          %dma_wait3A_152 = tpu.memref_squeeze %dma_wait3A_151 : memref<1x!tpu.dma_semaphore, #tpu.memory_space<semaphore_mem>> -> memref<!tpu.dma_semaphore, #tpu.memory_space<semaphore_mem>>
          %dma_wait3A_153 = arith.constant 0 : i32
          %dma_wait3A_154 = tpu.memref_slice %arg4[%mul3A_145, %dma_wait3A_153] : memref<600192x16xf32, #tpu.memory_space<hbm>> -> memref<128x16xf32, #tpu.memory_space<hbm>>
          %dma_wait3A_155 = arith.constant 0 : i32
          %dma_wait3A_156 = arith.constant 0 : i32
          %dma_wait3A_157 = tpu.memref_slice %run_scoped3A_18[%rem3A_143, %dma_wait3A_155, %dma_wait3A_156] : memref<2x128x16xf32, #tpu.memory_space<vmem>> -> memref<1x128x16xf32, #tpu.memory_space<vmem>>
          %dma_wait3A_158 = tpu.memref_squeeze %dma_wait3A_157 : memref<1x128x16xf32, #tpu.memory_space<vmem>> -> memref<128x16xf32, #tpu.memory_space<vmem>>
          tpu.wait_dma2 semaphore(%dma_wait3A_152 : memref<!tpu.dma_semaphore, #tpu.memory_space<semaphore_mem>>) src(%dma_wait3A_158 : memref<128x16xf32, #tpu.memory_space<vmem>>) dst(%dma_wait3A_154 : memref<128x16xf32, #tpu.memory_space<hbm>>)
          "tpu.trace_stop"() : () -> ()
        } else {
        }
      } else {
      }
      tpu.yield
    }) : () -> ()
    return
  }
}

module attributes {stable_mosaic.version = 14 : i64} {
  func.func @_dist_body(%arg0: i32, %arg1: memref<9x128x1024xf32, #tpu.memory_space<vmem>>, %arg2: memref<3x128x1024xf32, #tpu.memory_space<vmem>>, %arg3: memref<128x1024xf32, #tpu.memory_space<vmem>>) attributes {dimension_semantics = [#tpu.dimension_semantics<arbitrary>], iteration_bounds = array<i64: 24>, scalar_prefetch = 0 : i64, scratch_operands = 0 : i64, tpu.core_type = #tpu.core_type<tc>, window_params = [{transform_indices = @transform_0, window_bounds = array<i64: 9, 128, 1024>}, {transform_indices = @transform_1, window_bounds = array<i64: 3, 128, 1024>}, {transform_indices = @transform_2, window_bounds = array<i64: 128, 1024>}]} {
    %get3A = arith.constant 0 : index
    %get3A_0 = arith.constant 0 : index
    %get3A_1 = arith.constant 0 : index
    %get3A_2 = vector.load %arg2[%get3A, %get3A_0, %get3A_1] : memref<3x128x1024xf32, #tpu.memory_space<vmem>>, vector<1x128x1024xf32>
    %get3A_3 = vector.shape_cast %get3A_2 : vector<1x128x1024xf32> to vector<128x1024xf32>
    %get3A_4 = arith.constant 1 : index
    %get3A_5 = arith.constant 0 : index
    %get3A_6 = arith.constant 0 : index
    %get3A_7 = vector.load %arg2[%get3A_4, %get3A_5, %get3A_6] : memref<3x128x1024xf32, #tpu.memory_space<vmem>>, vector<1x128x1024xf32>
    %get3A_8 = vector.shape_cast %get3A_7 : vector<1x128x1024xf32> to vector<128x1024xf32>
    %get3A_9 = arith.constant 2 : index
    %get3A_10 = arith.constant 0 : index
    %get3A_11 = arith.constant 0 : index
    %get3A_12 = vector.load %arg2[%get3A_9, %get3A_10, %get3A_11] : memref<3x128x1024xf32, #tpu.memory_space<vmem>>, vector<1x128x1024xf32>
    %get3A_13 = vector.shape_cast %get3A_12 : vector<1x128x1024xf32> to vector<128x1024xf32>
    %get3A_14 = arith.constant 0 : index
    %get3A_15 = arith.constant 0 : index
    %get3A_16 = arith.constant 0 : index
    %get3A_17 = vector.load %arg1[%get3A_14, %get3A_15, %get3A_16] : memref<9x128x1024xf32, #tpu.memory_space<vmem>>, vector<1x128x1024xf32>
    %get3A_18 = vector.shape_cast %get3A_17 : vector<1x128x1024xf32> to vector<128x1024xf32>
    %mul3A = arith.mulf %get3A_3, %get3A_18 : vector<128x1024xf32>
    %get3A_19 = arith.constant 3 : index
    %get3A_20 = arith.constant 0 : index
    %get3A_21 = arith.constant 0 : index
    %get3A_22 = vector.load %arg1[%get3A_19, %get3A_20, %get3A_21] : memref<9x128x1024xf32, #tpu.memory_space<vmem>>, vector<1x128x1024xf32>
    %get3A_23 = vector.shape_cast %get3A_22 : vector<1x128x1024xf32> to vector<128x1024xf32>
    %mul3A_24 = arith.mulf %get3A_8, %get3A_23 : vector<128x1024xf32>
    %add3A = arith.addf %mul3A, %mul3A_24 : vector<128x1024xf32>
    %get3A_25 = arith.constant 6 : index
    %get3A_26 = arith.constant 0 : index
    %get3A_27 = arith.constant 0 : index
    %get3A_28 = vector.load %arg1[%get3A_25, %get3A_26, %get3A_27] : memref<9x128x1024xf32, #tpu.memory_space<vmem>>, vector<1x128x1024xf32>
    %get3A_29 = vector.shape_cast %get3A_28 : vector<1x128x1024xf32> to vector<128x1024xf32>
    %mul3A_30 = arith.mulf %get3A_13, %get3A_29 : vector<128x1024xf32>
    %add3A_31 = arith.addf %add3A, %mul3A_30 : vector<128x1024xf32>
    %get3A_32 = arith.constant 1 : index
    %get3A_33 = arith.constant 0 : index
    %get3A_34 = arith.constant 0 : index
    %get3A_35 = vector.load %arg1[%get3A_32, %get3A_33, %get3A_34] : memref<9x128x1024xf32, #tpu.memory_space<vmem>>, vector<1x128x1024xf32>
    %get3A_36 = vector.shape_cast %get3A_35 : vector<1x128x1024xf32> to vector<128x1024xf32>
    %mul3A_37 = arith.mulf %get3A_3, %get3A_36 : vector<128x1024xf32>
    %get3A_38 = arith.constant 4 : index
    %get3A_39 = arith.constant 0 : index
    %get3A_40 = arith.constant 0 : index
    %get3A_41 = vector.load %arg1[%get3A_38, %get3A_39, %get3A_40] : memref<9x128x1024xf32, #tpu.memory_space<vmem>>, vector<1x128x1024xf32>
    %get3A_42 = vector.shape_cast %get3A_41 : vector<1x128x1024xf32> to vector<128x1024xf32>
    %mul3A_43 = arith.mulf %get3A_8, %get3A_42 : vector<128x1024xf32>
    %add3A_44 = arith.addf %mul3A_37, %mul3A_43 : vector<128x1024xf32>
    %get3A_45 = arith.constant 7 : index
    %get3A_46 = arith.constant 0 : index
    %get3A_47 = arith.constant 0 : index
    %get3A_48 = vector.load %arg1[%get3A_45, %get3A_46, %get3A_47] : memref<9x128x1024xf32, #tpu.memory_space<vmem>>, vector<1x128x1024xf32>
    %get3A_49 = vector.shape_cast %get3A_48 : vector<1x128x1024xf32> to vector<128x1024xf32>
    %mul3A_50 = arith.mulf %get3A_13, %get3A_49 : vector<128x1024xf32>
    %add3A_51 = arith.addf %add3A_44, %mul3A_50 : vector<128x1024xf32>
    %get3A_52 = arith.constant 2 : index
    %get3A_53 = arith.constant 0 : index
    %get3A_54 = arith.constant 0 : index
    %get3A_55 = vector.load %arg1[%get3A_52, %get3A_53, %get3A_54] : memref<9x128x1024xf32, #tpu.memory_space<vmem>>, vector<1x128x1024xf32>
    %get3A_56 = vector.shape_cast %get3A_55 : vector<1x128x1024xf32> to vector<128x1024xf32>
    %mul3A_57 = arith.mulf %get3A_3, %get3A_56 : vector<128x1024xf32>
    %get3A_58 = arith.constant 5 : index
    %get3A_59 = arith.constant 0 : index
    %get3A_60 = arith.constant 0 : index
    %get3A_61 = vector.load %arg1[%get3A_58, %get3A_59, %get3A_60] : memref<9x128x1024xf32, #tpu.memory_space<vmem>>, vector<1x128x1024xf32>
    %get3A_62 = vector.shape_cast %get3A_61 : vector<1x128x1024xf32> to vector<128x1024xf32>
    %mul3A_63 = arith.mulf %get3A_8, %get3A_62 : vector<128x1024xf32>
    %add3A_64 = arith.addf %mul3A_57, %mul3A_63 : vector<128x1024xf32>
    %get3A_65 = arith.constant 8 : index
    %get3A_66 = arith.constant 0 : index
    %get3A_67 = arith.constant 0 : index
    %get3A_68 = vector.load %arg1[%get3A_65, %get3A_66, %get3A_67] : memref<9x128x1024xf32, #tpu.memory_space<vmem>>, vector<1x128x1024xf32>
    %get3A_69 = vector.shape_cast %get3A_68 : vector<1x128x1024xf32> to vector<128x1024xf32>
    %mul3A_70 = arith.mulf %get3A_13, %get3A_69 : vector<128x1024xf32>
    %add3A_71 = arith.addf %add3A_64, %mul3A_70 : vector<128x1024xf32>
    %mul3A_72 = arith.mulf %add3A_31, %add3A_31 : vector<128x1024xf32>
    %mul3A_73 = arith.mulf %add3A_51, %add3A_51 : vector<128x1024xf32>
    %add3A_74 = arith.addf %mul3A_72, %mul3A_73 : vector<128x1024xf32>
    %mul3A_75 = arith.mulf %add3A_71, %add3A_71 : vector<128x1024xf32>
    %add3A_76 = arith.addf %add3A_74, %mul3A_75 : vector<128x1024xf32>
    %sqrt3A = math.sqrt %add3A_76 : vector<128x1024xf32>
    %swap3A = arith.constant 0 : index
    %swap3A_77 = arith.constant 0 : index
    %swap3A_78 = vector.load %arg3[%swap3A, %swap3A_77] : memref<128x1024xf32, #tpu.memory_space<vmem>>, vector<128x1024xf32>
    tpu.vector_store %arg3[%swap3A, %swap3A_77], %sqrt3A {strides = array<i32>} : memref<128x1024xf32, #tpu.memory_space<vmem>>, vector<128x1024xf32>,
    return
  }
  func.func @transform_0(%arg0: i32) -> (i32, i32, i32) {
    %c0_i32 = arith.constant 0 : i32
    %c0_i32_0 = arith.constant 0 : i32
    %c0_i32_1 = arith.constant 0 : i32
    return %c0_i32, %arg0, %c0_i32_0 : i32, i32, i32
  }
  func.func @transform_1(%arg0: i32) -> (i32, i32, i32) {
    %c0_i32 = arith.constant 0 : i32
    %c0_i32_0 = arith.constant 0 : i32
    %c0_i32_1 = arith.constant 0 : i32
    return %c0_i32, %arg0, %c0_i32_0 : i32, i32, i32
  }
  func.func @transform_2(%arg0: i32) -> (i32, i32) {
    %c0_i32 = arith.constant 0 : i32
    %c0_i32_0 = arith.constant 0 : i32
    return %arg0, %c0_i32 : i32, i32
  }
}

</mosaic_0001>

<sc_bundles>
// kernel: kernel.5.cloned.1.call-start
scs
__scs_entry_jumppad:
0x0: {  	(pc) =	sbr.rel $0x88, $3  }
0x1: {  	(tag) =	ssettag $0x0;
	lr =	simm.s32 $0x1  }
0x2: {  	[smem:$0x3F9D] =	sst lr;
	_ =	strace $0xD0000000  }
0x3: {  	_ = 	snop  }
0x4: {  	_ = 	snop  }
0x5: {  	_ = 	snop  }
0x6: {  	_ = 	snop  }
0x7: {  	_ = 	snop  }
__scs_overlays_trampoline_lowered:
0x8: {  	[smem:$0x3FAC] =	sst s0  }
0x9: {  	[smem:$0x3FAD] =	sst s1  }
0xa: {  	[smem:$0x3FAE] =	sst s2  }
0xb: {  	[smem:$0x3FAF] =	sst s3  }
0xc: {  	[smem:$0x3FB0] =	sst s4  }
0xd: {  	[smem:$0x3FB1] =	sst s5  }
0xe: {  	[smem:$0x3FB2] =	sst s6  }
0xf: {  	[smem:$0x3FB3] =	sst s7  }
0x10: {  	[smem:$0x3FB4] =	sst s8  }
0x11: {  	[smem:$0x3FB5] =	sst s9;
	s0 =	simm.s32 @!p0 $0x0  }
0x12: {  	s1 =	sld [smem:$0x3F9B];
	s0 =	simm.s32 @p0 $0x1  }
0x13: {  	[smem:$0x3FB6] =	sst s0;
	s0 =	simm.s32 @!p1 $0x0  }
0x14: {  	s2 =	sld [smem:$0x3F9A];
	s0 =	simm.s32 @p1 $0x1  }
0x15: {  	[smem:$0x3FB7] =	sst s0;
	s0 =	simm.s32 @!p2 $0x0  }
0x16: {  	s3 =	sld [smem:$0x3FDB];
	s0 =	simm.s32 @p2 $0x1  }
0x17: {  	s4 =	simm.s32 $0x1BF5;
	[smem:$0x3FB9] =	sst s0  }
0x18: {  	s0 =	sld [smem:$0x3F9C];
	_ =	swait.ge [sflag:s4], $0x0  }
0x19: {  	s7 =	sld [smem:$0x3F9D]  }
0x1a: {  	s8 =	sadd.s32 $0xFFFFE003, lr  }
0x1b: {  	s9 =	sadd.s32 $0xFFFFFEF7, lr;
	s5 =	simm.s32 $0xFFFFFFFF;
	p2 =	slt.u32 s8, $0xFFFFF086  }
0x1c: {  	p1 =	slt.u32 s9, $0xF7A;
	s5 =	simm.s32 @!p2 $0x0  }
0x1d: {  	s5 =	simm.s32 @p1 $0x1;
	p0 =	seq.s32 s7, s2  }
0x1e: {  	s7 =	smul.u32 @!p0 $0xF7A, s2;
	p2 =	seq.s32 @!p0 s5, $0x0  }
0x1f: {  	s9 =	smul.u32 $0xF7A, s1;
	s8 =	simm.s32 @!p0 $0x1BF5;
	p2 =	por !p2, p0  }
0x20: {  	[sflag:s8] =	ssyncset.s32 @!p0 $0xFFFFF086;
	s6 =	sadd.s32 @!p0 s3, s7;
	s7 =	simm.s32 @!p0 $0x108  }
0x21: {  	s3 =	sadd.s32 s3, s9;
	s6 =	sadd.s32 @!p0 $0x88, s6;
	s7 =	simm.s32 @p2 $0x1082  }
0x22: {  	[simem:s7], [sflag:s8] =	dma.local @!p0 [hbm:s6], $0xF7A  }
0x23: {  	s9 =	sor.u32 $0xD0000000, s2;
	s6 =	simm.s32 $0x108;
	_ =	swait.ge @!p0 [sflag:s8], $0x0  }
0x24: {  	s3 =	sadd.s32 $0x88, s3;
	s6 =	simm.s32 @!p1 $0x1082;
	[sflag:s4] =	ssyncset.s32 $0xFFFFF086  }
0x25: {  	[simem:s6], [sflag:s4] =	dma.local [hbm:s3], $0xF7A  }
0x26: {  	[smem:$0x3F9D] =	sst s1;
	(tag) =	ssettag s2;
	_ =	strace s9  }
0x27: {  	s1 =	sld [smem:$0x3FAD]  }
0x28: {  	s2 =	sld [smem:$0x3FAE]  }
0x29: {  	s4 =	sld [smem:$0x3FB0]  }
0x2a: {  	p0 =	seq.s32 s5, $0x0;
	s5 =	sld [smem:$0x3FB1]  }
0x2b: {  	s6 =	sld [smem:$0x3FB2]  }
0x2c: {  	s7 =	sld [smem:$0x3FB3]  }
0x2d: {  	s3 =	simm.s32 $0x108;
	s8 =	sld [smem:$0x3FB4]  }
0x2e: {  	s3 =	simm.s32 @!p0 $0x1082;
	s9 =	sld [smem:$0x3FB5]  }
0x2f: {  	lr =	sadd.s32 s0, s3;
	s0 =	sld [smem:$0x3FAC]  }
0x30: {  	s3 =	sld [smem:$0x3FAF]  }
0x31: {  	[smem:$0x3FB8] =	sst s10  }
0x32: {  	s10 =	sld [smem:$0x3FB6];
	_ =	sdelay $0x3  }
0x33: {  	p0 =	seq.s32 s10, $0x1;
	s10 =	sld [smem:$0x3FB8];
	_ =	sdelay $0x3  }
0x34: {  	[smem:$0x3FB8] =	sst s10  }
0x35: {  	s10 =	sld [smem:$0x3FB7];
	_ =	sdelay $0x3  }
0x36: {  	p1 =	seq.s32 s10, $0x1;
	s10 =	sld [smem:$0x3FB8];
	_ =	sdelay $0x3  }
0x37: {  	[smem:$0x3FB8] =	sst s10  }
0x38: {  	s10 =	sld [smem:$0x3FB9]  }
0x39: {  	_ = 	snop;
	(pc) =	sbr.ind lr, $3  }
0x3a: {  	_ = 	snop  }
0x3b: {  	_ = 	snop  }
0x3c: {  	p2 =	seq.s32 s10, $0x1;
	s10 =	sld [smem:$0x3FB8]  }
0x3d: {  	_ =	shalt  }
0x3e: {  	_ =	shalt  }
0x3f: {  	_ =	shalt  }
0x40: {  	_ =	shalt  }
0x41: {  	_ =	shalt  }
0x42: {  	_ =	shalt  }
0x43: {  	_ =	shalt  }
0x44: {  	_ =	shalt  }
0x45: {  	_ =	shalt  }
0x46: {  	_ =	shalt  }
0x47: {  	_ =	shalt  }
0x48: {  	_ =	shalt  }
0x49: {  	_ =	shalt  }
0x4a: {  	_ =	shalt  }
0x4b: {  	_ =	shalt  }
0x4c: {  	_ =	shalt  }
0x4d: {  	_ =	shalt  }
0x4e: {  	_ =	shalt  }
0x4f: {  	_ =	shalt  }
0x50: {  	_ =	shalt  }
0x51: {  	_ =	shalt  }
0x52: {  	_ =	shalt  }
0x53: {  	_ =	shalt  }
0x54: {  	_ =	shalt  }
0x55: {  	_ =	shalt  }
0x56: {  	_ =	shalt  }
0x57: {  	_ =	shalt  }
0x58: {  	_ =	shalt  }
0x59: {  	_ =	shalt  }
0x5a: {  	_ =	shalt  }
0x5b: {  	_ =	shalt  }
0x5c: {  	_ =	shalt  }
0x5d: {  	_ =	shalt  }
0x5e: {  	_ =	shalt  }
0x5f: {  	_ =	shalt  }
0x60: {  	_ =	shalt  }
0x61: {  	_ =	shalt  }
0x62: {  	_ =	shalt  }
0x63: {  	_ =	shalt  }
0x64: {  	_ =	shalt  }
0x65: {  	_ =	shalt  }
0x66: {  	_ =	shalt  }
0x67: {  	_ =	shalt  }
0x68: {  	_ =	shalt  }
0x69: {  	_ =	shalt  }
0x6a: {  	_ =	shalt  }
0x6b: {  	_ =	shalt  }
0x6c: {  	_ =	shalt  }
0x6d: {  	_ =	shalt  }
0x6e: {  	_ =	shalt  }
0x6f: {  	_ =	shalt  }
0x70: {  	_ =	shalt  }
0x71: {  	_ =	shalt  }
0x72: {  	_ =	shalt  }
0x73: {  	_ =	shalt  }
0x74: {  	_ =	shalt  }
0x75: {  	_ =	shalt  }
0x76: {  	_ =	shalt  }
0x77: {  	_ =	shalt  }
0x78: {  	_ =	shalt  }
0x79: {  	_ =	shalt  }
0x7a: {  	_ =	shalt  }
0x7b: {  	_ =	shalt  }
0x7c: {  	_ =	shalt  }
0x7d: {  	_ =	shalt  }
0x7e: {  	_ =	shalt  }
0x7f: {  	_ =	shalt  }
0x80: {  	_ =	shalt  }
0x81: {  	_ =	shalt  }
0x82: {  	_ =	shalt  }
0x83: {  	_ =	shalt  }
0x84: {  	_ =	shalt  }
0x85: {  	_ =	shalt  }
0x86: {  	_ =	shalt  }
0x87: {  	_ =	shalt  }
.Lfunc_end0:
.L_simem_size_0:
called_computation.1_lowered:
.L_overlay_start_0:
0x88: {  	s2 =	sld [smem:$0x3FD9]  }
0x89: {  	s3 =	sld [smem:$0x3FFE];
	_ =	sdelay $0x1  }
0x8a: {  	s1 =	srdreg.scid  }
0x8b: {  	s0 =	sand.u32 $0x1, s1  }
0x8c: {  	s14 =	sshll.u32 s0, $0xA;
	s2 =	sadd.s32 s3, s2  }
0x8d: {  	s2 =	sadd.s32 s2, s14  }
0x8e: {  	[smem:$0x3FC4] =	sst s2  }
0x8f: {  	_ = 	snop  }
0x90: {  	s2 =	sld [smem:$0x3FD0];
	_ =	sdelay $0x2  }
0x91: {  	s15 =	simm.s32 $0xB;
	s4 =	simm.s32 $0x10  }
0x92: {  	[smem:s4], [sflag:s15] =	dma.local [hbm:s2], $0x1  }
0x93: {  	_ =	swait.eq [sflag:s15], $0x1  }
0x94: {  	[sflag:s15] =	ssyncset.done $0x0  }
0x95: {  	[sflag:s15] =	ssyncadd.s32 $0xFFFFFFFF  }
0x96: {  	s16 =	sld [smem:$0x11];
	(tm) =	ssettm $0x1  }
0x97: {  	s17 =	sld [smem:$0x3FFB];
	_ =	sdelay $0x3  }
0x98: {  	_ =	strace s17  }
0x99: {  	s3 =	sld [smem:$0x3FFC];
	_ =	sdelay $0x3  }
0x9a: {  	_ =	strace s3  }
0x9b: {  	s3 =	sld [smem:$0x3FFD];
	_ =	sdelay $0x3  }
0x9c: {  	_ =	strace s3  }
0x9d: {  	_ =	strace $0x8FFFFFFF  }
0x9e: {  	s18 =	sld [smem:$0x3FDB];
	_ =	sdelay $0x1  }
0x9f: {  	s19 =	simm.s32 $_scs_section_size  }
0xa0: {  	s5 =	simm.s32 $_size__tile_overlayer_lowered;
	s6 =	simm.s32 $_tile_overlayer_lowered  }
0xa1: {  	s22 =	simm.s32 $0x1BFF;
	s21 =	sshll.u32 s6, $0x1;
	s3 =	sadd.s32 s19, s18  }
0xa2: {  	s7 =	simm.s32 $0x0;
	s20 =	sshll.u32 s5, $0x1;
	s5 =	sadd.s32 s21, s3  }
0xa3: {  	[timem:s7], [sflag:s22] =	dma.local [hbm:s5], s20  }
0xa4: {  	_ =	swait.ge [sflag:s22], s20  }
0xa5: {  	s4 =	ssub.s32 $0x0, s20;
	[sflag:s22] =	ssyncset.done $0x0  }
0xa6: {  	[sflag:s22] =	ssyncadd.s32 s4;
	_ =	sdelay $0x1  }
0xa7: {  	s23 =	simm.s32 $0x1B8B  }
0xa8: {  	_ =	swait.ge [sflag:s23], $0x1  }
0xa9: {  	[sflag:s23] =	ssyncset.done $0x0  }
0xaa: {  	s25 =	simm.s32 $0x1B8E;
	s24 =	sld [smem:$0x3FFE];
	[sflag:s23] =	ssyncadd.s32 $0xFFFFFFFF  }
0xab: {  	s26 =	simm.s32 $execute0_lowered;
	[smem:$0x3FD2] =	sst s25  }
0xac: {  	s5 =	sshll.u32 s26, $0x1;
	_ =	strace $0x80000046;
	[dreg:$0x1] =	wrdreg $0xFFFFFFFF  }
0xad: {  	s28 =	simm.s32 $_size_execute0_lowered;
	s3 =	sadd.s32 s3, s5;
	[dreg:$0x0] =	wrdreg $0x0  }
0xae: {  	s5 =	sshll.u32 s28, $0x1;
	[dreg:$0x2] =	wrdreg s3  }
0xaf: {  	[dreg:$0x3] =	wrdreg s5  }
0xb0: {  	[dreg:$0x4] =	wrdreg $0xC0  }
0xb1: {  	_ =	task [dreg:s7], $0x5FFFF  }
0xb2: {  	[dreg:$0x1] =	wrdreg $0xFFFFFFFF  }
0xb3: {  	[dreg:$0x0] =	wrdreg $0x60  }
0xb4: {  	[dreg:$0x2] =	wrdreg s24  }
0xb5: {  	[dreg:$0x3] =	wrdreg s16  }
0xb6: {  	[dreg:$0x4] =	wrdreg $0xA  }
0xb7: {  	_ =	task.clear_ibuf [dreg:s7], $0x5FFFF;
	_ =	strace $0x90000046  }
0xb8: {  	s29 =	simm.s32 $0xA;
	_ =	strace $0x8000004F  }
0xb9: {  	_ =	swait.ge [sflag:s29], $0x1  }
0xba: {  	[sflag:s29] =	ssyncadd.s32 $0xFFFFFFFF  }
0xbb: {  	_ =	strace $0x9000004F  }
0xbc: {  	_ =	sfence  }
0xbd: {  	s30 =	sld [smem:$0x0];
	_ =	sdelay $0x2  }
0xbe: {  	s31 =	sshll.u32 s1, $0xD;
	s1 =	sshrl.u32 s1, $0x2  }
0xbf: {  	s3 =	sand.u32 $0x4000, s31;
	s1 =	sadd.s32 s1, s30  }
0xc0: {  	s0 =	sor.u32 s3, s0;
	s1 =	sshll.u32 s1, $0x11  }
0xc1: {  	s0 =	sor.u32 s1, s0  }
0xc2: {  	s0 =	sadd.s32 $0x8F2B, s0  }
0xc3: {  	[sflag:s0] =	ssyncadd.remote.s32 $0x1  }
0xc4: {  	_ =	sfence.sel $0xFFFF  }
0xc5: {  	[dreg:$0x0] =	wrdreg $0xFFFFFFFF;
	(pc) =	sbr.abs _section_cstart, $3  }
0xc6: {  	[dreg:$0x1] =	wrdreg $0xFFFFFFFF  }
0xc7: {  	_ =	task.clear_ibuf [dreg:s7], $0x2FFFF;
	_ =	strace $0x9FFFFFFF  }
0xc8: {  	(tm) =	ssettm $0x7FFFFFFF  }
0xc9: {  	_ =	shalt  }
tec
execute0_lowered:
.L_overlay_start_1:
0x0: {  	(tag) =	ssettag $0x1  }
0x1: {  	s4 =	rddreg [dreg:$0x0]  }
0x2: {  	s1 =	rddreg [dreg:$0x1]  }
0x3: {  	s2 =	srdreg.scid;
	s0 =	rddreg [dreg:$0x2];
	s3 =	simm.s32 $0x0  }
0x4: {  	s10 =	simm.s32 $0x80;
	s11 =	simm.s32 $0x0;
	s5 =	sand.u32 $0x1, s2  }
0x5: {  	s2 =	stileid.u32;
	[smem:$0x7FF] =	sst s3;
	s6 =	sshll.u32 s5, $0x4  }
0x6: {  	s7 =	sadd.s32 $0x2200, s4;
	s9 =	sadd.s32 $0x33000, s4;
	s6 =	sor.u32 s2, s6  }
0x7: {  	_ =	strace $0x80000047;
	[dreg:$0x3] =	wrdreg s7;
	s8 =	smul.u32 $0x92, s6  }
0x8: {  	[dreg:$0x5] =	wrdreg s9;
	s30 =	ssub.s32 $0x2, s5;
	s7 =	smul.u32 $0x93, s6  }
0x9: {  	s5 =	simm.s32 $0x93;
	p0 =	slt.u32 s6, $0x11;
	s4 =	sadd.s32 $0x11, s8  }
0xa: {  	s9 =	simm.s32 $0x1;
	[dreg:$0x4] =	wrdreg s10;
	s4 =	smov.u32 @p0 s7  }
0xb: {  	s10 =	simm.s32 $0x5;
	s31 =	sshrl.u32 s30, $0x1;
	s7 =	sshll.u32 s4, $0x4  }
0xc: {  	s5 =	simm.s32 @!p0 $0x92;
	s8 =	ssub.s32 s30, s31;
	s7 =	sand.u32 $0x1FFFFFF0, s7  }
0xd: {  	s8 =	smax.u32 s8, $0x1;
	s6 =	sadd.s32 s1, s7;
	s7 =	sadd.s32 $0xFFFFFFFF, s5  }
.LBB2_1:
0xe: {  	_ =	strace $0x80000048;
	p2 =	sne.s32 s5, $0x1  }
.Ltmp0:
0xf: {  	p0 =	seq.s32 s5, $0x1;
	s13 =	simm.s32 $0x1;
	(pc) =	sbr.rel @!p2 .LBB2_2-.Ltmp0, $4  }
0x10: {  	[tilespmem:s3], [sflag:$0x1] =	stream.linear.gather [hbm4b:s6+s3], $0x80, $0x200038;
	[tilespmem:$0x1100] =	vst v63  }
0x11: {  	s12 =	simm.s32 $0x1;
	p1 =	por $0x1, $0x1;
	s13 =	simm.s32 @p0 $0x0  }
0x12: {  	p6 =	sgt.u32 s7, $0x0;
	p4 =	por p1, p1;
	p3 =	sne.s32 s13, $0x0  }
0x13: {  	_ =	strace $0x90000048;
	p5 =	por !p6, !p3;
	p6 =	por $0x0, $0x0  }
0x14: {  	p2 =	por !p5, !p5  }
0x15: {  	s21 =	sand.u32 $0x1, s3;
	s19 =	simm.s32 $0x2;
	s14 =	sadd.s32 @p2 s4, s13  }
0x16: {  	p1 =	por p3, p3;
	s15 =	sand.u32 @p2 $0x1, s9;
	s14 =	sshll.u32 @p2 s14, $0x4  }
0x17: {  	_ =	strace @p2 $0x80000049;
	s17 =	simm.s32 @p2 $0x0;
	s14 =	sand.u32 @p2 $0x1FFFFFF0, s14  }
0x18: {  	s16 =	sshll.u32 @p2 s15, $0x7;
	s15 =	sadd.s32 @p2 $0x1, s15;
	s14 =	sadd.s32 @p2 s1, s14  }
0x19: {  	[tilespmem:s16], [sflag:s15] =	stream.linear.gather @p2 [hbm4b:s14+s17], $0x80, $0x200038;
	[tilespmem:$0x1100] =	vst v63  }
0x1a: {  	s30 =	simm.s32 $0x0;
	p6 =	por $0x0, $0x0;
	_ =	strace @p2 $0x90000049  }
0x1b: {  	p0 =	sne.s32 s5, $0x2;
	s29 =	sadd.s32 $0x1, s21;
	_ =	strace $0x8000004A  }
0x1c: {  	s24 =	sadd.s32 $0x0, s4;
	p5 =	sgt.u32 s7, $0x1;
	_ =	swait.ge [sflag:s29], $0x80  }
0x1d: {  	s23 =	simm.s32 $0x1;
	s22 =	sshll.u32 s21, $0xB;
	[sflag:s29] =	ssyncset.done $0x0  }
0x1e: {  	s22 =	sor.u32 $0x100, s22;
	s16 =	sand.u32 @!p4 $0x1, s3;
	[sflag:s29] =	ssyncadd.s32 $0xFFFFFF80  }
0x1f: {  	s15 =	simm.s32 $0x1;
	s17 =	sadd.s32 $0x1, s13;
	_ =	strace $0x9000004A  }
0x20: {  	s14 =	sand.u32 $0x80, s30;
	s15 =	simm.s32 @!p2 $0x0;
	_ =	strace $0x8000004B  }
0x21: {  	p2 =	por p4, p4;
	p4 =	por p6, p6;
	s20 =	rddreg [dreg:$0x4]  }
0x22: {  	p3 =	seq.s32 s17, s5;
	p6 =	seq.s32 s7, $0x0;
	s31 =	rddreg [dreg:$0x3]  }
0x23: {  	[tilespmem:s22], [sflag:$0x5] =	stream.indirect.gather [hbm4b:s31+s20], $0x10, s14, s20, $0x2000b8;
	[tilespmem:$0x1100] =	vst v63  }
.Ltmp1:
0x24: {  	s18 =	sadd.s32 $0x1, s15;
	s17 =	simm.s32 @p3 $0x0;
	(pc) =	sbr.rel @!p0 .LBB2_4-.Ltmp1, $4  }
0x25: {  	p1 =	por p6, p1;
	p6 =	por $0x0, $0x0;
	_ =	swait.ge [sflag:s10], $0x800  }
0x26: {  	s15 =	simm.s32 $0x0;
	p3 =	sne.s32 s13, s17;
	[sflag:s10] =	ssyncset.done $0x0  }
0x27: {  	s23 =	simm.s32 @!p6 $0x0;
	p5 =	por !p5, !p3;
	[sflag:s10] =	ssyncadd.s32 $0xFFFFF800  }
0x28: {  	s14 =	simm.s32 $0x0;
	s20 =	simm.s32 $0x0;
	_ =	strace $0x9000004B  }
.LBB2_5:
0x29: {  	_ =	strace @p1 $0x8000004C;
	s14 =	sadd.s32 s23, s14;
	s23 =	smov.u32 s12  }
0x2a: {  	s12 =	smov.u32 s19;
	s19 =	sadd.s32 $0x1, s19;
	p0 =	por p3, p3  }
0x2b: {  	s29 =	sshll.u32 @p1 s24, $0x8;
	s21 =	sadd.s32 @p1 $0x3, s21;
	s25 =	simm.s32 @!p0 $0x0  }
0x2c: {  	s26 =	rddreg [dreg:$0x5];
	s29 =	sand.u32 @p1 $0x1FFFFF00, s29;
	s25 =	simm.s32 @p0 $0x1  }
0x2d: {  	s26 =	sadd.s32 @p1 s26, s29;
	s29 =	simm.s32 @p1 $0x0;
	p0 =	sne.s32 s5, s19  }
0x2e: {  	[hbm4b:s26+s29] =	stream.linear.scatter @p1 [tilespmem:s22], [sflag:s21], $0x800, $0x200038;
	[tilespmem:$0x1100] =	vst v63  }
0x2f: {  	s21 =	sadd.s32 @!p2 $0x3, s16;
	s16 =	simm.s32 @!p0 $0x0  }
0x30: {  	s28 =	simm.s32 $0x1;
	[smem:$0x7FC] =	sst s25;
	s16 =	simm.s32 @p0 $0x1  }
0x31: {  	s28 =	simm.s32 @!p1 $0x0;
	_ =	strace @p1 $0x9000004C;
	[smem:$0x7FD] =	sst s16  }
0x32: {  	s20 =	sadd.s32 s28, s20;
	s25 =	sand.u32 @!p4 $0x1, s14;
	_ =	strace @!p2 $0x8000004D  }
0x33: {  	p1 =	por !p5, !p5;
	s16 =	smov.u32 s25;
	_ =	swait.ge @!p2 [sflag:s21], $0x800  }
0x34: {  	s22 =	sand.u32 @p1 $0x1, s18;
	s25 =	sadd.s32 @p1 s4, s17;
	[sflag:s21] =	ssyncset.done @!p2 $0x0  }
0x35: {  	s26 =	sshll.u32 @p1 s22, $0x7;
	s25 =	sshll.u32 @p1 s25, $0x4;
	[sflag:s21] =	ssyncadd.s32 @!p2 $0xFFFFF800  }
0x36: {  	s21 =	sadd.s32 @p1 $0x1, s22;
	s22 =	sand.u32 @p1 $0x1FFFFFF0, s25;
	_ =	strace @!p2 $0x9000004D  }
0x37: {  	s25 =	simm.s32 @p1 $0x0;
	s22 =	sadd.s32 @p1 s1, s22;
	_ =	strace @p1 $0x80000049  }
0x38: {  	[tilespmem:s26], [sflag:s21] =	stream.linear.gather @p1 [hbm4b:s22+s25], $0x80, $0x200038;
	[tilespmem:$0x1100] =	vst v63  }
0x39: {  	s15 =	sadd.s32 s28, s15;
	s28 =	sand.u32 $0x1, s20;
	_ =	strace @p1 $0x90000049  }
0x3a: {  	s28 =	sadd.s32 $0x1, s28;
	_ =	strace $0x8000004A  }
0x3b: {  	_ =	swait.ge [sflag:s28], $0x80  }
0x3c: {  	[sflag:s28] =	ssyncset.done $0x0  }
0x3d: {  	s21 =	simm.s32 $0x1;
	[sflag:s28] =	ssyncadd.s32 $0xFFFFFF80  }
0x3e: {  	s21 =	simm.s32 @!p1 $0x0;
	_ =	strace $0x9000004A  }
0x3f: {  	s18 =	sadd.s32 s21, s18;
	s21 =	sand.u32 $0x1, s15;
	_ =	strace $0x8000004B  }
0x40: {  	s31 =	sshll.u32 s20, $0x7;
	s29 =	sshll.u32 s21, $0xB;
	s25 =	rddreg [dreg:$0x4]  }
0x41: {  	s31 =	sand.u32 $0x80, s31;
	s22 =	sor.u32 $0x100, s29;
	s26 =	rddreg [dreg:$0x3]  }
0x42: {  	[tilespmem:s22], [sflag:$0x5] =	stream.indirect.gather [hbm4b:s26+s25], $0x10, s31, s25, $0x2000b8;
	[tilespmem:$0x1100] =	vst v63  }
0x43: {  	_ =	swait.ge [sflag:s10], $0x800  }
0x44: {  	[sflag:s10] =	ssyncset.done $0x0  }
0x45: {  	[sflag:s10] =	ssyncadd.s32 $0xFFFFF800  }
0x46: {  	s30 =	sadd.s32 $0x1, s17;
	_ =	strace $0x9000004B  }
0x47: {  	s24 =	sadd.s32 s4, s13;
	s13 =	smov.u32 s17;
	s31 =	sld [smem:$0x7FD]  }
0x48: {  	p0 =	sne.s32 s23, $0x0;
	s17 =	smov.u32 s30;
	p1 =	seq.s32 s30, s5  }
0x49: {  	s17 =	simm.s32 @p1 $0x0;
	p1 =	seq.s32 s7, s23;
	s23 =	simm.s32 $0x1  }
0x4a: {  	s23 =	simm.s32 @!p0 $0x0;
	p0 =	seq.s32 s31, $0x1  }
.Ltmp2:
0x4b: {  	s30 =	sld [smem:$0x7FC];
	(pc) =	sbr.rel @p0 .LBB2_5-.Ltmp2, $4  }
0x4c: {  	p3 =	seq.s32 s12, $0x0  }
0x4d: {  	p6 =	por p3, p3;
	p5 =	slt.u32 s12, s7  }
0x4e: {  	p2 =	por p4, p4;
	p3 =	sne.s32 s13, s17;
	p4 =	seq.s32 s30, $0x1  }
0x4f: {  	p5 =	por !p5, !p3;
	p1 =	por p1, p4;
	p4 =	por p6, p6  }
0x50: {  	p6 =	por $0x1, $0x1  }
.LBB2_7:
0x51: {  	p0 =	por !p1, !p6  }
0x52: {  	s25 =	simm.s32 $0x1;
	_ =	strace @!p0 $0x8000004C;
	s24 =	sshll.u32 @!p0 s24, $0x8  }
0x53: {  	p2 =	por p2, !p6;
	s19 =	rddreg [dreg:$0x5];
	s24 =	sand.u32 @!p0 $0x1FFFFF00, s24  }
0x54: {  	s21 =	sadd.s32 @!p0 $0x3, s21;
	s19 =	sadd.s32 @!p0 s19, s24;
	s24 =	simm.s32 @!p0 $0x0  }
0x55: {  	[hbm4b:s19+s24] =	stream.linear.scatter @!p0 [tilespmem:s22], [sflag:s21], $0x800, $0x200038;
	[tilespmem:$0x1100] =	vst v63  }
0x56: {  	p1 =	por !p5, !p5;
	s25 =	simm.s32 @p0 $0x0;
	_ =	strace @!p0 $0x9000004C  }
0x57: {  	s16 =	sadd.s32 @!p2 $0x3, s16;
	s17 =	sadd.s32 @p1 s4, s17;
	_ =	strace @!p2 $0x8000004D  }
0x58: {  	s18 =	sand.u32 @p1 $0x1, s18;
	s17 =	sshll.u32 @p1 s17, $0x4;
	_ =	swait.ge @!p2 [sflag:s16], $0x800  }
0x59: {  	s17 =	sand.u32 @p1 $0x1FFFFFF0, s17;
	s19 =	sadd.s32 @p6 s25, s20;
	[sflag:s16] =	ssyncset.done @!p2 $0x0  }
0x5a: {  	s20 =	simm.s32 $0x0;
	s17 =	sadd.s32 @p1 s1, s17;
	[sflag:s16] =	ssyncadd.s32 @!p2 $0xFFFFF800  }
0x5b: {  	s20 =	smov.u32 @p6 s19;
	s19 =	sshll.u32 @p1 s18, $0x7;
	_ =	strace @!p2 $0x9000004D  }
0x5c: {  	s16 =	sadd.s32 @p1 $0x1, s18;
	s18 =	simm.s32 @p1 $0x0;
	_ =	strace @p1 $0x80000049  }
0x5d: {  	[tilespmem:s19], [sflag:s16] =	stream.linear.gather @p1 [hbm4b:s17+s18], $0x80, $0x200038;
	[tilespmem:$0x1100] =	vst v63  }
0x5e: {  	s26 =	sand.u32 $0x1, s20;
	_ =	strace @p1 $0x90000049  }
0x5f: {  	s16 =	sadd.s32 $0x1, s26;
	_ =	strace $0x8000004A  }
0x60: {  	_ =	swait.ge [sflag:s16], $0x80  }
0x61: {  	[sflag:s16] =	ssyncset.done $0x0  }
0x62: {  	s15 =	sadd.s32 @p6 s25, s15;
	[sflag:s16] =	ssyncadd.s32 $0xFFFFFF80;
	s16 =	simm.s32 $0x0  }
0x63: {  	_ =	strace $0x9000004A;
	s16 =	smov.u32 @p6 s15  }
0x64: {  	_ =	strace $0x8000004B;
	s16 =	sand.u32 $0x1, s16  }
0x65: {  	s30 =	sshll.u32 s20, $0x7;
	s28 =	rddreg [dreg:$0x4];
	s31 =	sshll.u32 s16, $0xB  }
0x66: {  	s18 =	sand.u32 $0x80, s30;
	s29 =	rddreg [dreg:$0x3];
	s19 =	sor.u32 $0x100, s31  }
0x67: {  	[tilespmem:s19], [sflag:$0x5] =	stream.indirect.gather [hbm4b:s29+s28], $0x10, s18, s28, $0x2000b8;
	[tilespmem:$0x1100] =	vst v63  }
0x68: {  	_ =	swait.ge [sflag:s10], $0x800  }
0x69: {  	p3 =	por p3, p3;
	[sflag:s10] =	ssyncset.done $0x0  }
0x6a: {  	p5 =	seq.s32 s7, s12;
	s13 =	sadd.s32 s4, s13;
	[sflag:s10] =	ssyncadd.s32 $0xFFFFF800  }
0x6b: {  	s14 =	sadd.s32 @p6 s23, s14;
	p1 =	por p5, p3;
	_ =	strace $0x9000004B  }
0x6c: {  	s17 =	simm.s32 $0x0;
	s13 =	sshll.u32 @p1 s13, $0x8;
	_ =	strace @p1 $0x8000004C  }
0x6d: {  	s17 =	smov.u32 @p6 s14;
	s13 =	sand.u32 @p1 $0x1FFFFF00, s13;
	s15 =	rddreg [dreg:$0x5]  }
0x6e: {  	s14 =	sadd.s32 @p1 $0x3, s16;
	s13 =	sadd.s32 @p1 s15, s13;
	s15 =	simm.s32 @p1 $0x0  }
0x6f: {  	[hbm4b:s13+s15] =	stream.linear.scatter @p1 [tilespmem:s19], [sflag:s14], $0x800, $0x200038;
	[tilespmem:$0x1100] =	vst v63  }
0x70: {  	p0 =	por p4, p4;
	s13 =	sand.u32 @!p4 $0x1, s17;
	_ =	strace @p1 $0x9000004C  }
0x71: {  	s13 =	sadd.s32 @!p0 $0x3, s13;
	_ =	strace @!p0 $0x8000004D  }
0x72: {  	p1 =	sne.s32 s12, $0x0;
	s12 =	simm.s32 $0x1;
	_ =	swait.ge @!p0 [sflag:s13], $0x800  }
0x73: {  	s12 =	simm.s32 @!p1 $0x0;
	[sflag:s13] =	ssyncset.done @!p0 $0x0  }
0x74: {  	s11 =	sadd.s32 $0x1, s11;
	s12 =	sadd.s32 s12, s17;
	[sflag:s13] =	ssyncadd.s32 @!p0 $0xFFFFF800  }
0x75: {  	s12 =	sand.u32 $0x1, s12;
	_ =	strace @!p0 $0x9000004D;
	p0 =	sne.s32 s11, s8  }
.Ltmp3:
0x76: {  	s12 =	sadd.s32 $0x3, s12;
	_ =	strace $0x8000004E;
	(pc) =	sbr.rel @p0 .LBB2_1-.Ltmp3, $4  }
.Ltmp4:
0x77: {  	_ =	swait.ge [sflag:s12], $0x800;
	(pc) =	sbr.rel @!p0 .LBB2_8-.Ltmp4, $4  }
0x78: {  	[sflag:s12] =	ssyncset.done $0x0  }
0x79: {  	[sflag:s12] =	ssyncadd.s32 $0xFFFFF800  }
0x7a: {  	_ =	strace $0x9000004E  }
0x7b: {  	_ = 	snop  }
.LBB2_2:
.Ltmp5:
0x7c: {  	(pc) =	sbr.rel .LBB2_7-.Ltmp5, $4  }
0x7d: {  	_ = 	snop  }
0x7e: {  	s14 =	simm.s32 $0x0  }
0x7f: {  	s12 =	simm.s32 $0x0;
	s15 =	simm.s32 $0x0;
	s17 =	smov.u32 s13  }
0x80: {  	s20 =	simm.s32 $0x0;
	s18 =	simm.s32 $0x1;
	s13 =	simm.s32 $0x0  }
.LBB2_4:
.Ltmp6:
0x81: {  	(pc) =	sbr.rel .LBB2_7-.Ltmp6, $3  }
0x82: {  	_ =	sdelay $0x1  }
0x83: {  	s14 =	simm.s32 $0x0  }
0x84: {  	s15 =	simm.s32 $0x0;
	s20 =	simm.s32 $0x0;
	p6 =	por $0x1, $0x1  }
.LBB2_8:
0x85: {  	_ =	sfence.sel $0x180000  }
0x86: {  	[bflag:$0x0] =	sbarrier.arrive $0xFFFF  }
0x87: {  	p0 =	sne.s32 s2, $0x0;
	_ =	strace $0x90000047  }
0x88: {  	s0 =	sadd.s32 @!p0 $0x100000, s0;
	[bflag:$0x2] =	sbarrier.arrive $0xFFFF  }
0x89: {  	[sflag:s0] =	ssyncadd.tile.s32 @!p0 $0x1;
	_ =	shalt  }
.Lfunc_end2:
_tile_overlayer_lowered:
.L_overlay_start_2:
0x8a: {  	(tag) =	ssettag $0x2  }
0x8b: {  	s0 =	rddreg [dreg:$0x0];
	s2 =	stileid.u32  }
0x8c: {  	s1 =	rddreg [dreg:$0x1];
	p0 =	sne.s32 s2, $0x0  }
0x8d: {  	s3 =	rddreg [dreg:$0x2];
	[bflag:$0x3] =	sbarrier.arrive $0xFFFF;
	s2 =	simm.s32 @!p0 $0x1C01  }
0x8e: {  	[timem:s3], [sflag:s2] =	dma.local @!p0 [hbm:s0], s1  }
0x8f: {  	s0 =	simm.s32 @!p0 $0x1  }
0x90: {  	_ =	swait.ge @!p0 [sflag:s0], s1  }
0x91: {  	s1 =	ssub.s32 @!p0 $0x0, s1;
	[sflag:s0] =	ssyncset.done @!p0 $0x0  }
0x92: {  	[sflag:s0] =	ssyncadd.s32 @!p0 s1  }
0x93: {  	[bflag:$0x3] =	sbarrier.arrive $0xFFFF  }
0x94: {  	_ =	shalt  }

// kernel: kernel.8.cloned.1.call-start
scs
__scs_entry_jumppad:
0x0: {  	(pc) =	sbr.rel $0x88, $3  }
0x1: {  	(tag) =	ssettag $0x0;
	lr =	simm.s32 $0x1  }
0x2: {  	[smem:$0x3F9D] =	sst lr;
	_ =	strace $0xD0000000  }
0x3: {  	_ = 	snop  }
0x4: {  	_ = 	snop  }
0x5: {  	_ = 	snop  }
0x6: {  	_ = 	snop  }
0x7: {  	_ = 	snop  }
__scs_overlays_trampoline_lowered:
0x8: {  	[smem:$0x3FAC] =	sst s0  }
0x9: {  	[smem:$0x3FAD] =	sst s1  }
0xa: {  	[smem:$0x3FAE] =	sst s2  }
0xb: {  	[smem:$0x3FAF] =	sst s3  }
0xc: {  	[smem:$0x3FB0] =	sst s4  }
0xd: {  	[smem:$0x3FB1] =	sst s5  }
0xe: {  	[smem:$0x3FB2] =	sst s6  }
0xf: {  	[smem:$0x3FB3] =	sst s7  }
0x10: {  	[smem:$0x3FB4] =	sst s8  }
0x11: {  	[smem:$0x3FB5] =	sst s9;
	s0 =	simm.s32 @!p0 $0x0  }
0x12: {  	s1 =	sld [smem:$0x3F9B];
	s0 =	simm.s32 @p0 $0x1  }
0x13: {  	[smem:$0x3FB6] =	sst s0;
	s0 =	simm.s32 @!p1 $0x0  }
0x14: {  	s2 =	sld [smem:$0x3F9A];
	s0 =	simm.s32 @p1 $0x1  }
0x15: {  	[smem:$0x3FB7] =	sst s0;
	s0 =	simm.s32 @!p2 $0x0  }
0x16: {  	s3 =	sld [smem:$0x3FDB];
	s0 =	simm.s32 @p2 $0x1  }
0x17: {  	s4 =	simm.s32 $0x1BF5;
	[smem:$0x3FB9] =	sst s0  }
0x18: {  	s0 =	sld [smem:$0x3F9C];
	_ =	swait.ge [sflag:s4], $0x0  }
0x19: {  	s7 =	sld [smem:$0x3F9D]  }
0x1a: {  	s8 =	sadd.s32 $0xFFFFE003, lr  }
0x1b: {  	s9 =	sadd.s32 $0xFFFFFEF7, lr;
	s5 =	simm.s32 $0xFFFFFFFF;
	p2 =	slt.u32 s8, $0xFFFFF086  }
0x1c: {  	p1 =	slt.u32 s9, $0xF7A;
	s5 =	simm.s32 @!p2 $0x0  }
0x1d: {  	s5 =	simm.s32 @p1 $0x1;
	p0 =	seq.s32 s7, s2  }
0x1e: {  	s7 =	smul.u32 @!p0 $0xF7A, s2;
	p2 =	seq.s32 @!p0 s5, $0x0  }
0x1f: {  	s9 =	smul.u32 $0xF7A, s1;
	s8 =	simm.s32 @!p0 $0x1BF5;
	p2 =	por !p2, p0  }
0x20: {  	[sflag:s8] =	ssyncset.s32 @!p0 $0xFFFFF086;
	s6 =	sadd.s32 @!p0 s3, s7;
	s7 =	simm.s32 @!p0 $0x108  }
0x21: {  	s3 =	sadd.s32 s3, s9;
	s6 =	sadd.s32 @!p0 $0x88, s6;
	s7 =	simm.s32 @p2 $0x1082  }
0x22: {  	[simem:s7], [sflag:s8] =	dma.local @!p0 [hbm:s6], $0xF7A  }
0x23: {  	s9 =	sor.u32 $0xD0000000, s2;
	s6 =	simm.s32 $0x108;
	_ =	swait.ge @!p0 [sflag:s8], $0x0  }
0x24: {  	s3 =	sadd.s32 $0x88, s3;
	s6 =	simm.s32 @!p1 $0x1082;
	[sflag:s4] =	ssyncset.s32 $0xFFFFF086  }
0x25: {  	[simem:s6], [sflag:s4] =	dma.local [hbm:s3], $0xF7A  }
0x26: {  	[smem:$0x3F9D] =	sst s1;
	(tag) =	ssettag s2;
	_ =	strace s9  }
0x27: {  	s1 =	sld [smem:$0x3FAD]  }
0x28: {  	s2 =	sld [smem:$0x3FAE]  }
0x29: {  	s4 =	sld [smem:$0x3FB0]  }
0x2a: {  	p0 =	seq.s32 s5, $0x0;
	s5 =	sld [smem:$0x3FB1]  }
0x2b: {  	s6 =	sld [smem:$0x3FB2]  }
0x2c: {  	s7 =	sld [smem:$0x3FB3]  }
0x2d: {  	s3 =	simm.s32 $0x108;
	s8 =	sld [smem:$0x3FB4]  }
0x2e: {  	s3 =	simm.s32 @!p0 $0x1082;
	s9 =	sld [smem:$0x3FB5]  }
0x2f: {  	lr =	sadd.s32 s0, s3;
	s0 =	sld [smem:$0x3FAC]  }
0x30: {  	s3 =	sld [smem:$0x3FAF]  }
0x31: {  	[smem:$0x3FB8] =	sst s10  }
0x32: {  	s10 =	sld [smem:$0x3FB6];
	_ =	sdelay $0x3  }
0x33: {  	p0 =	seq.s32 s10, $0x1;
	s10 =	sld [smem:$0x3FB8];
	_ =	sdelay $0x3  }
0x34: {  	[smem:$0x3FB8] =	sst s10  }
0x35: {  	s10 =	sld [smem:$0x3FB7];
	_ =	sdelay $0x3  }
0x36: {  	p1 =	seq.s32 s10, $0x1;
	s10 =	sld [smem:$0x3FB8];
	_ =	sdelay $0x3  }
0x37: {  	[smem:$0x3FB8] =	sst s10  }
0x38: {  	s10 =	sld [smem:$0x3FB9]  }
0x39: {  	_ = 	snop;
	(pc) =	sbr.ind lr, $3  }
0x3a: {  	_ = 	snop  }
0x3b: {  	_ = 	snop  }
0x3c: {  	p2 =	seq.s32 s10, $0x1;
	s10 =	sld [smem:$0x3FB8]  }
0x3d: {  	_ =	shalt  }
0x3e: {  	_ =	shalt  }
0x3f: {  	_ =	shalt  }
0x40: {  	_ =	shalt  }
0x41: {  	_ =	shalt  }
0x42: {  	_ =	shalt  }
0x43: {  	_ =	shalt  }
0x44: {  	_ =	shalt  }
0x45: {  	_ =	shalt  }
0x46: {  	_ =	shalt  }
0x47: {  	_ =	shalt  }
0x48: {  	_ =	shalt  }
0x49: {  	_ =	shalt  }
0x4a: {  	_ =	shalt  }
0x4b: {  	_ =	shalt  }
0x4c: {  	_ =	shalt  }
0x4d: {  	_ =	shalt  }
0x4e: {  	_ =	shalt  }
0x4f: {  	_ =	shalt  }
0x50: {  	_ =	shalt  }
0x51: {  	_ =	shalt  }
0x52: {  	_ =	shalt  }
0x53: {  	_ =	shalt  }
0x54: {  	_ =	shalt  }
0x55: {  	_ =	shalt  }
0x56: {  	_ =	shalt  }
0x57: {  	_ =	shalt  }
0x58: {  	_ =	shalt  }
0x59: {  	_ =	shalt  }
0x5a: {  	_ =	shalt  }
0x5b: {  	_ =	shalt  }
0x5c: {  	_ =	shalt  }
0x5d: {  	_ =	shalt  }
0x5e: {  	_ =	shalt  }
0x5f: {  	_ =	shalt  }
0x60: {  	_ =	shalt  }
0x61: {  	_ =	shalt  }
0x62: {  	_ =	shalt  }
0x63: {  	_ =	shalt  }
0x64: {  	_ =	shalt  }
0x65: {  	_ =	shalt  }
0x66: {  	_ =	shalt  }
0x67: {  	_ =	shalt  }
0x68: {  	_ =	shalt  }
0x69: {  	_ =	shalt  }
0x6a: {  	_ =	shalt  }
0x6b: {  	_ =	shalt  }
0x6c: {  	_ =	shalt  }
0x6d: {  	_ =	shalt  }
0x6e: {  	_ =	shalt  }
0x6f: {  	_ =	shalt  }
0x70: {  	_ =	shalt  }
0x71: {  	_ =	shalt  }
0x72: {  	_ =	shalt  }
0x73: {  	_ =	shalt  }
0x74: {  	_ =	shalt  }
0x75: {  	_ =	shalt  }
0x76: {  	_ =	shalt  }
0x77: {  	_ =	shalt  }
0x78: {  	_ =	shalt  }
0x79: {  	_ =	shalt  }
0x7a: {  	_ =	shalt  }
0x7b: {  	_ =	shalt  }
0x7c: {  	_ =	shalt  }
0x7d: {  	_ =	shalt  }
0x7e: {  	_ =	shalt  }
0x7f: {  	_ =	shalt  }
0x80: {  	_ =	shalt  }
0x81: {  	_ =	shalt  }
0x82: {  	_ =	shalt  }
0x83: {  	_ =	shalt  }
0x84: {  	_ =	shalt  }
0x85: {  	_ =	shalt  }
0x86: {  	_ =	shalt  }
0x87: {  	_ =	shalt  }
.Lfunc_end0:
.L_simem_size_0:
called_computation.2_lowered:
.L_overlay_start_0:
0x88: {  	s2 =	sld [smem:$0x3FD9]  }
0x89: {  	s3 =	sld [smem:$0x3FFE];
	_ =	sdelay $0x1  }
0x8a: {  	s1 =	srdreg.scid  }
0x8b: {  	s0 =	sand.u32 $0x1, s1  }
0x8c: {  	s17 =	sshll.u32 s0, $0xA;
	s2 =	sadd.s32 s3, s2  }
0x8d: {  	s2 =	sadd.s32 s2, s17  }
0x8e: {  	[smem:$0x3FC4] =	sst s2  }
0x8f: {  	_ = 	snop  }
0x90: {  	(tm) =	ssettm $0x1  }
0x91: {  	s18 =	sld [smem:$0x3FFB];
	_ =	sdelay $0x3  }
0x92: {  	_ =	strace s18  }
0x93: {  	s2 =	sld [smem:$0x3FFC];
	_ =	sdelay $0x3  }
0x94: {  	_ =	strace s2  }
0x95: {  	s2 =	sld [smem:$0x3FFD];
	_ =	sdelay $0x3  }
0x96: {  	_ =	strace s2  }
0x97: {  	_ =	strace $0x8FFFFFFF  }
0x98: {  	s19 =	sld [smem:$0x3FDB];
	_ =	sdelay $0x1  }
0x99: {  	s20 =	simm.s32 $_scs_section_size  }
0x9a: {  	s4 =	simm.s32 $_size__tile_overlayer_lowered;
	s5 =	simm.s32 $_tile_overlayer_lowered  }
0x9b: {  	s6 =	simm.s32 $0x1BFF;
	s21 =	sshll.u32 s5, $0x1;
	s3 =	sadd.s32 s20, s19  }
0x9c: {  	s22 =	simm.s32 $0x0;
	s4 =	sshll.u32 s4, $0x1;
	s5 =	sadd.s32 s21, s3  }
0x9d: {  	[timem:s22], [sflag:s6] =	dma.local [hbm:s5], s4  }
0x9e: {  	_ =	swait.ge [sflag:s6], s4  }
0x9f: {  	s4 =	ssub.s32 $0x0, s4;
	[sflag:s6] =	ssyncset.done $0x0  }
0xa0: {  	[sflag:s6] =	ssyncadd.s32 s4;
	_ =	sdelay $0x1  }
0xa1: {  	s23 =	simm.s32 $0x1B8B  }
0xa2: {  	_ =	swait.ge [sflag:s23], $0x1  }
0xa3: {  	[sflag:s23] =	ssyncset.done $0x0  }
0xa4: {  	[sflag:s23] =	ssyncadd.s32 $0xFFFFFFFF  }
0xa5: {  	s4 =	sld [smem:$0x0]  }
0xa6: {  	s5 =	sand.u32 $0xFFFFFFFE, s1  }
0xa7: {  	p0 =	sne.s32 s1, s5  }
0xa8: {  	s5 =	sshll.u32 @p0 s5, $0xE  }
0xa9: {  	s5 =	sadd.s32 @p0 $0x11B8D, s5;
	s6 =	sshll.u32 @p0 s4, $0x11  }
0xaa: {  	s5 =	sor.u32 @p0 s6, s5  }
0xab: {  	[sflag:s5] =	ssyncadd.remote.s32 @p0 $0x1;
	_ =	sdelay $0x1  }
0xac: {  	s5 =	simm.s32 @p0 $0x1B8D  }
0xad: {  	_ =	swait.eq @p0 [sflag:s5], $0x1  }
0xae: {  	[sflag:s5] =	ssyncadd.s32 @p0 $0xFFFFFFFF  }
0xaf: {  	s6 =	sshll.u32 @!p0 s1, $0xE  }
0xb0: {  	s6 =	sor.u32 @!p0 $0x4000, s6;
	s5 =	simm.s32 @!p0 $0x1B8D  }
0xb1: {  	s4 =	sshll.u32 @!p0 s4, $0x11;
	s6 =	sadd.s32 @!p0 $0x11B8D, s6;
	_ =	swait.eq @!p0 [sflag:s5], $0x1  }
0xb2: {  	s4 =	sor.u32 @!p0 s4, s6;
	[sflag:s5] =	ssyncadd.s32 @!p0 $0xFFFFFFFF  }
0xb3: {  	s25 =	simm.s32 $0x1B8E;
	s24 =	sld [smem:$0x3FFE];
	[sflag:s4] =	ssyncadd.remote.s32 @!p0 $0x1  }
0xb4: {  	s26 =	simm.s32 $execute0_lowered;
	[smem:$0x3FD2] =	sst s25  }
0xb5: {  	s5 =	sshll.u32 s26, $0x1;
	_ =	strace $0x80000053;
	[dreg:$0x1] =	wrdreg $0xFFFFFFFF  }
0xb6: {  	s28 =	simm.s32 $_size_execute0_lowered;
	s3 =	sadd.s32 s3, s5;
	[dreg:$0x0] =	wrdreg $0x0  }
0xb7: {  	s5 =	sshll.u32 s28, $0x1;
	[dreg:$0x2] =	wrdreg s3  }
0xb8: {  	[dreg:$0x3] =	wrdreg s5  }
0xb9: {  	[dreg:$0x4] =	wrdreg $0xC0  }
0xba: {  	_ =	task [dreg:s22], $0x5FFFF  }
0xbb: {  	[dreg:$0x1] =	wrdreg $0xFFFFFFFF  }
0xbc: {  	[dreg:$0x0] =	wrdreg $0x60  }
0xbd: {  	[dreg:$0x2] =	wrdreg s24  }
0xbe: {  	[dreg:$0x3] =	wrdreg $0xA  }
0xbf: {  	_ =	task.clear_ibuf [dreg:s22], $0x4FFFF;
	_ =	strace $0x90000053  }
0xc0: {  	s29 =	simm.s32 $0xA;
	_ =	strace $0x8000005C  }
0xc1: {  	_ =	swait.ge [sflag:s29], $0x1  }
0xc2: {  	[sflag:s29] =	ssyncadd.s32 $0xFFFFFFFF  }
0xc3: {  	_ =	strace $0x9000005C  }
0xc4: {  	_ =	sfence  }
0xc5: {  	s30 =	sld [smem:$0x0];
	_ =	sdelay $0x2  }
0xc6: {  	s31 =	sshll.u32 s1, $0xD;
	s1 =	sshrl.u32 s1, $0x2  }
0xc7: {  	s4 =	sand.u32 $0x4000, s31;
	s1 =	sadd.s32 s1, s30  }
0xc8: {  	s0 =	sor.u32 s4, s0;
	s1 =	sshll.u32 s1, $0x11  }
0xc9: {  	s0 =	sor.u32 s1, s0  }
0xca: {  	s0 =	sadd.s32 $0x8F2B, s0  }
0xcb: {  	[sflag:s0] =	ssyncadd.remote.s32 $0x1  }
0xcc: {  	_ =	sfence.sel $0xFFFF  }
0xcd: {  	[dreg:$0x0] =	wrdreg $0xFFFFFFFF;
	(pc) =	sbr.abs _section_cstart, $3  }
0xce: {  	[dreg:$0x1] =	wrdreg $0xFFFFFFFF  }
0xcf: {  	_ =	task.clear_ibuf [dreg:s22], $0x2FFFF;
	_ =	strace $0x9FFFFFFF  }
0xd0: {  	(tm) =	ssettm $0x7FFFFFFF  }
0xd1: {  	_ =	shalt  }
tec
execute0_lowered:
.L_overlay_start_1:
0x0: {  	(tag) =	ssettag $0x1  }
0x1: {  	s3 =	rddreg [dreg:$0x0]  }
0x2: {  	s0 =	rddreg [dreg:$0x1];
	s1 =	simm.s32 $0x0  }
0x3: {  	s2 =	srdreg.scid;
	s8 =	simm.s32 $0x80;
	s9 =	simm.s32 $0x0  }
0x4: {  	[smem:$0x7FF] =	sst s1;
	s4 =	sand.u32 $0x1, s2;
	s5 =	sadd.s32 $0x2200, s3  }
0x5: {  	s2 =	stileid.u32;
	s30 =	sadd.s32 $0x2D8200, s3;
	s3 =	sadd.s32 $0x278200, s3  }
0x6: {  	_ =	strace $0x80000054;
	s6 =	sshll.u32 s4, $0x4;
	[dreg:$0x2] =	wrdreg s5  }
0x7: {  	s4 =	ssub.s32 $0x2, s4;
	[dreg:$0x4] =	wrdreg s30;
	s29 =	sor.u32 s2, s6  }
0x8: {  	[dreg:$0x3] =	wrdreg s8;
	s31 =	sshrl.u32 s4, $0x1;
	s7 =	smul.u32 $0x3000, s29  }
0x9: {  	s8 =	simm.s32 $0x5;
	s6 =	ssub.s32 s4, s31;
	s4 =	smul.u32 $0x300, s29  }
0xa: {  	s6 =	smax.u32 s6, $0x1;
	s5 =	sadd.s32 s3, s7;
	s7 =	simm.s32 $0x1  }
.LBB2_1:
0xb: {  	_ =	strace $0x80000055;
	s10 =	simm.s32 $0x1;
	p0 =	por $0x0, $0x0  }
0xc: {  	[tilespmem:s1], [sflag:$0x1] =	stream.linear.gather [hbm4b:s5+s1], $0x80, $0x200038;
	[tilespmem:$0x1100] =	vst v63  }
0xd: {  	s10 =	simm.s32 @p0 $0x0  }
0xe: {  	p4 =	por $0x1, $0x1;
	s19 =	sand.u32 $0x1, s1;
	p1 =	sne.s32 s10, $0x0  }
0xf: {  	p2 =	por $0x1, $0x1;
	s17 =	simm.s32 $0x2FE;
	p0 =	por !p4, !p1  }
0x10: {  	s15 =	simm.s32 $0x0;
	p5 =	por $0x0, $0x0;
	p0 =	por !p0, !p0  }
0x11: {  	s22 =	sadd.s32 $0x0, s4;
	s30 =	sadd.s32 $0x1, s19;
	s11 =	sadd.s32 @p0 s4, s10  }
0x12: {  	_ =	strace $0x90000055;
	s12 =	sand.u32 @p0 $0x1, s7;
	s11 =	sshll.u32 @p0 s11, $0x4  }
0x13: {  	_ =	strace @p0 $0x80000056;
	s14 =	simm.s32 @p0 $0x0;
	s11 =	sand.u32 @p0 $0x1FFFFFF0, s11  }
0x14: {  	s13 =	sshll.u32 @p0 s12, $0x7;
	s12 =	sadd.s32 @p0 $0x1, s12;
	s11 =	sadd.s32 @p0 s3, s11  }
0x15: {  	[tilespmem:s13], [sflag:s12] =	stream.linear.gather @p0 [hbm4b:s11+s14], $0x80, $0x200038;
	[tilespmem:$0x1100] =	vst v63  }
0x16: {  	p3 =	por p2, p2;
	s20 =	sshll.u32 s19, $0xB;
	_ =	strace @p0 $0x90000056  }
0x17: {  	s15 =	sand.u32 $0x80, s15;
	p2 =	por p5, p5;
	_ =	strace $0x80000057  }
0x18: {  	s16 =	sadd.s32 $0x1, s10;
	s21 =	sor.u32 $0x100, s20;
	_ =	swait.ge [sflag:s30], $0x80  }
0x19: {  	s20 =	simm.s32 $0x1;
	p6 =	por p1, p1;
	[sflag:s30] =	ssyncset.done $0x0  }
0x1a: {  	p1 =	por p3, p3;
	p4 =	por $0x1, $0x1;
	[sflag:s30] =	ssyncadd.s32 $0xFFFFFF80  }
0x1b: {  	s11 =	simm.s32 $0x2FF;
	s14 =	sand.u32 @!p3 $0x1, s1;
	_ =	strace $0x90000057  }
0x1c: {  	s12 =	simm.s32 $0x1;
	p3 =	seq.s32 s16, $0x300;
	_ =	strace $0x80000058  }
0x1d: {  	s12 =	simm.s32 @!p0 $0x0;
	s16 =	simm.s32 @p3 $0x0;
	s18 =	rddreg [dreg:$0x3]  }
0x1e: {  	p0 =	por $0x0, $0x0;
	s13 =	sadd.s32 $0x1, s12;
	s31 =	rddreg [dreg:$0x2]  }
0x1f: {  	[tilespmem:s21], [sflag:$0x5] =	stream.indirect.gather [hbm4b:s31+s18], $0x10, s15, s18, $0x2000b8;
	[tilespmem:$0x1100] =	vst v63  }
0x20: {  	p3 =	sne.s32 s10, s16;
	s20 =	simm.s32 @!p0 $0x0;
	_ =	swait.ge [sflag:s8], $0x800  }
0x21: {  	p5 =	por !p4, !p3;
	p4 =	por $0x0, $0x0;
	[sflag:s8] =	ssyncset.done $0x0  }
0x22: {  	s12 =	simm.s32 $0x0;
	p6 =	por p4, p6;
	[sflag:s8] =	ssyncadd.s32 $0xFFFFF800  }
0x23: {  	s15 =	simm.s32 $0x0;
	s18 =	simm.s32 $0x0;
	_ =	strace $0x90000058  }
.LBB2_2:
0x24: {  	_ =	strace @p6 $0x80000059;
	s30 =	smov.u32 s11  }
0x25: {  	s11 =	smov.u32 s17;
	s17 =	sadd.s32 $0xFFFFFFFF, s17;
	p0 =	por p3, p3  }
0x26: {  	s26 =	sshll.u32 @p6 s22, $0x8;
	s19 =	sadd.s32 @p6 $0x3, s19;
	s23 =	simm.s32 @!p0 $0x0  }
0x27: {  	s24 =	rddreg [dreg:$0x4];
	s26 =	sand.u32 @p6 $0x1FFFFF00, s26;
	s23 =	simm.s32 @p0 $0x1  }
0x28: {  	s24 =	sadd.s32 @p6 s24, s26;
	s26 =	simm.s32 @p6 $0x0;
	p0 =	sne.s32 s17, $0x0  }
0x29: {  	[hbm4b:s24+s26] =	stream.linear.scatter @p6 [tilespmem:s21], [sflag:s19], $0x800, $0x200038;
	[tilespmem:$0x1100] =	vst v63  }
0x2a: {  	s12 =	sadd.s32 s20, s12;
	s19 =	sadd.s32 @!p1 $0x3, s14;
	s14 =	simm.s32 @!p0 $0x0  }
0x2b: {  	s25 =	simm.s32 $0x1;
	[smem:$0x7FC] =	sst s23;
	s14 =	simm.s32 @p0 $0x1  }
0x2c: {  	s25 =	simm.s32 @!p6 $0x0;
	_ =	strace @p6 $0x90000059;
	[smem:$0x7FD] =	sst s14  }
0x2d: {  	p5 =	por !p5, !p5;
	s18 =	sadd.s32 s25, s18;
	_ =	strace @!p1 $0x8000005A  }
0x2e: {  	s23 =	sand.u32 @!p2 $0x1, s12;
	s21 =	sand.u32 @p5 $0x1, s13;
	_ =	swait.ge @!p1 [sflag:s19], $0x800  }
0x2f: {  	s14 =	smov.u32 s23;
	s23 =	sadd.s32 @p5 s4, s16;
	[sflag:s19] =	ssyncset.done @!p1 $0x0  }
0x30: {  	s24 =	sshll.u32 @p5 s21, $0x7;
	s23 =	sshll.u32 @p5 s23, $0x4;
	[sflag:s19] =	ssyncadd.s32 @!p1 $0xFFFFF800  }
0x31: {  	s19 =	sadd.s32 @p5 $0x1, s21;
	s21 =	sand.u32 @p5 $0x1FFFFFF0, s23;
	_ =	strace @!p1 $0x9000005A  }
0x32: {  	s23 =	simm.s32 @p5 $0x0;
	s21 =	sadd.s32 @p5 s3, s21;
	_ =	strace @p5 $0x80000056  }
0x33: {  	[tilespmem:s24], [sflag:s19] =	stream.linear.gather @p5 [hbm4b:s21+s23], $0x80, $0x200038;
	[tilespmem:$0x1100] =	vst v63  }
0x34: {  	s15 =	sadd.s32 s25, s15;
	s25 =	sand.u32 $0x1, s18;
	_ =	strace @p5 $0x90000056  }
0x35: {  	s23 =	sadd.s32 $0x1, s25;
	_ =	strace $0x80000057  }
0x36: {  	_ =	swait.ge [sflag:s23], $0x80  }
0x37: {  	[sflag:s23] =	ssyncset.done $0x0  }
0x38: {  	s19 =	simm.s32 $0x1;
	[sflag:s23] =	ssyncadd.s32 $0xFFFFFF80  }
0x39: {  	s19 =	simm.s32 @!p5 $0x0;
	_ =	strace $0x90000057  }
0x3a: {  	s13 =	sadd.s32 s19, s13;
	s19 =	sand.u32 $0x1, s15;
	_ =	strace $0x80000058  }
0x3b: {  	s31 =	sshll.u32 s18, $0x7;
	s24 =	sshll.u32 s19, $0xB;
	s25 =	rddreg [dreg:$0x3]  }
0x3c: {  	s29 =	sand.u32 $0x80, s31;
	s21 =	sor.u32 $0x100, s24;
	s26 =	rddreg [dreg:$0x2]  }
0x3d: {  	[tilespmem:s21], [sflag:$0x5] =	stream.indirect.gather [hbm4b:s26+s25], $0x10, s29, s25, $0x2000b8;
	[tilespmem:$0x1100] =	vst v63  }
0x3e: {  	_ =	swait.ge [sflag:s8], $0x800  }
0x3f: {  	[sflag:s8] =	ssyncset.done $0x0  }
0x40: {  	s28 =	sadd.s32 $0x1, s16;
	[sflag:s8] =	ssyncadd.s32 $0xFFFFF800  }
0x41: {  	s22 =	sadd.s32 s4, s10;
	s10 =	smov.u32 s16;
	_ =	strace $0x90000058  }
0x42: {  	p3 =	seq.s32 s28, $0x300;
	s16 =	smov.u32 s28;
	s31 =	sld [smem:$0x7FD]  }
0x43: {  	s20 =	simm.s32 $0x1;
	s16 =	simm.s32 @p3 $0x0  }
0x44: {  	p6 =	sne.s32 s11, $0x1;
	p0 =	sne.s32 s30, $0x300;
	p3 =	sne.s32 s10, s16  }
0x45: {  	s20 =	simm.s32 @!p0 $0x0;
	p5 =	por !p6, !p3;
	p0 =	seq.s32 s31, $0x1  }
.Ltmp0:
0x46: {  	p6 =	seq.s32 s30, $0x1;
	s30 =	sld [smem:$0x7FC];
	(pc) =	sbr.rel @p0 .LBB2_2-.Ltmp0, $4  }
0x47: {  	_ = 	snop  }
0x48: {  	p4 =	seq.s32 s11, $0x300  }
0x49: {  	p1 =	por p2, p2;
	p2 =	por p4, p4;
	p4 =	seq.s32 s30, $0x1  }
0x4a: {  	p6 =	por p6, p4  }
0x4b: {  	_ =	strace @p6 $0x80000059;
	s22 =	sshll.u32 @p6 s22, $0x8  }
0x4c: {  	s17 =	rddreg [dreg:$0x4];
	s22 =	sand.u32 @p6 $0x1FFFFF00, s22  }
0x4d: {  	s19 =	sadd.s32 @p6 $0x3, s19;
	s17 =	sadd.s32 @p6 s17, s22;
	s22 =	simm.s32 @p6 $0x0  }
0x4e: {  	[hbm4b:s17+s22] =	stream.linear.scatter @p6 [tilespmem:s21], [sflag:s19], $0x800, $0x200038;
	[tilespmem:$0x1100] =	vst v63  }
0x4f: {  	p0 =	por !p5, !p5;
	_ =	strace @p6 $0x90000059  }
0x50: {  	s14 =	sadd.s32 @!p1 $0x3, s14;
	s16 =	sadd.s32 @p0 s4, s16;
	_ =	strace @!p1 $0x8000005A  }
0x51: {  	s13 =	sand.u32 @p0 $0x1, s13;
	s16 =	sshll.u32 @p0 s16, $0x4;
	_ =	swait.ge @!p1 [sflag:s14], $0x800  }
0x52: {  	s17 =	simm.s32 $0x1;
	s19 =	sshll.u32 @p0 s13, $0x7;
	[sflag:s14] =	ssyncset.done @!p1 $0x0  }
0x53: {  	s13 =	sadd.s32 @p0 $0x1, s13;
	s17 =	simm.s32 @!p6 $0x0;
	[sflag:s14] =	ssyncadd.s32 @!p1 $0xFFFFF800  }
0x54: {  	s18 =	sadd.s32 s17, s18;
	s14 =	sand.u32 @p0 $0x1FFFFFF0, s16;
	_ =	strace @!p1 $0x9000005A  }
0x55: {  	s16 =	simm.s32 @p0 $0x0;
	s14 =	sadd.s32 @p0 s3, s14;
	_ =	strace @p0 $0x80000056  }
0x56: {  	[tilespmem:s19], [sflag:s13] =	stream.linear.gather @p0 [hbm4b:s14+s16], $0x80, $0x200038;
	[tilespmem:$0x1100] =	vst v63  }
0x57: {  	s24 =	sand.u32 $0x1, s18;
	_ =	strace @p0 $0x90000056  }
0x58: {  	s13 =	sadd.s32 $0x1, s24;
	_ =	strace $0x80000057  }
0x59: {  	_ =	swait.ge [sflag:s13], $0x80  }
0x5a: {  	[sflag:s13] =	ssyncset.done $0x0  }
0x5b: {  	[sflag:s13] =	ssyncadd.s32 $0xFFFFFF80  }
0x5c: {  	s25 =	sadd.s32 s17, s15;
	_ =	strace $0x90000057  }
0x5d: {  	s13 =	sand.u32 $0x1, s25;
	_ =	strace $0x80000058  }
0x5e: {  	s29 =	sshll.u32 s18, $0x7;
	s30 =	sshll.u32 s13, $0xB;
	s26 =	rddreg [dreg:$0x3]  }
0x5f: {  	s16 =	sand.u32 $0x80, s29;
	s17 =	sor.u32 $0x100, s30;
	s28 =	rddreg [dreg:$0x2]  }
0x60: {  	[tilespmem:s17], [sflag:$0x5] =	stream.indirect.gather [hbm4b:s28+s26], $0x10, s16, s26, $0x2000b8;
	[tilespmem:$0x1100] =	vst v63  }
0x61: {  	_ =	swait.ge [sflag:s8], $0x800  }
0x62: {  	[sflag:s8] =	ssyncset.done $0x0  }
0x63: {  	p5 =	por p3, p3;
	p6 =	seq.s32 s11, $0x1;
	[sflag:s8] =	ssyncadd.s32 $0xFFFFF800  }
0x64: {  	s10 =	sadd.s32 s4, s10;
	p0 =	por p6, p5;
	_ =	strace $0x90000058  }
0x65: {  	s10 =	sshll.u32 @p0 s10, $0x8;
	_ =	strace @p0 $0x80000059  }
0x66: {  	s12 =	sadd.s32 s20, s12;
	s10 =	sand.u32 @p0 $0x1FFFFF00, s10;
	s14 =	rddreg [dreg:$0x4]  }
0x67: {  	s13 =	sadd.s32 @p0 $0x3, s13;
	s10 =	sadd.s32 @p0 s14, s10;
	s14 =	simm.s32 @p0 $0x0  }
0x68: {  	[hbm4b:s10+s14] =	stream.linear.scatter @p0 [tilespmem:s17], [sflag:s13], $0x800, $0x200038;
	[tilespmem:$0x1100] =	vst v63  }
0x69: {  	p1 =	por p2, p2;
	s10 =	sand.u32 @!p2 $0x1, s12;
	_ =	strace @p0 $0x90000059  }
0x6a: {  	s10 =	sadd.s32 @!p1 $0x3, s10;
	_ =	strace @!p1 $0x8000005A  }
0x6b: {  	p0 =	sne.s32 s11, $0x300;
	s11 =	simm.s32 $0x1;
	_ =	swait.ge @!p1 [sflag:s10], $0x800  }
0x6c: {  	s11 =	simm.s32 @!p0 $0x0;
	[sflag:s10] =	ssyncset.done @!p1 $0x0  }
0x6d: {  	s9 =	sadd.s32 $0x1, s9;
	s11 =	sadd.s32 s11, s12;
	[sflag:s10] =	ssyncadd.s32 @!p1 $0xFFFFF800  }
0x6e: {  	p0 =	sne.s32 s9, s6;
	s31 =	sand.u32 $0x1, s11;
	_ =	strace @!p1 $0x9000005A  }
.Ltmp1:
0x6f: {  	s10 =	sadd.s32 $0x3, s31;
	_ =	strace $0x8000005B;
	(pc) =	sbr.rel @p0 .LBB2_1-.Ltmp1, $4  }
0x70: {  	_ =	swait.ge [sflag:s10], $0x800  }
0x71: {  	[sflag:s10] =	ssyncset.done $0x0  }
0x72: {  	[sflag:s10] =	ssyncadd.s32 $0xFFFFF800  }
0x73: {  	_ =	strace $0x9000005B  }
0x74: {  	_ =	sfence.sel $0x180000  }
0x75: {  	[bflag:$0x0] =	sbarrier.arrive $0xFFFF  }
0x76: {  	p0 =	sne.s32 s2, $0x0;
	_ =	strace $0x90000054  }
0x77: {  	s0 =	sadd.s32 @!p0 $0x100000, s0;
	[bflag:$0x2] =	sbarrier.arrive $0xFFFF  }
0x78: {  	[sflag:s0] =	ssyncadd.tile.s32 @!p0 $0x1;
	_ =	shalt  }
.Lfunc_end2:
_tile_overlayer_lowered:
.L_overlay_start_2:
0x79: {  	(tag) =	ssettag $0x2  }
0x7a: {  	s0 =	rddreg [dreg:$0x0];
	s2 =	stileid.u32  }
0x7b: {  	s1 =	rddreg [dreg:$0x1];
	p0 =	sne.s32 s2, $0x0  }
0x7c: {  	s3 =	rddreg [dreg:$0x2];
	[bflag:$0x3] =	sbarrier.arrive $0xFFFF;
	s2 =	simm.s32 @!p0 $0x1C01  }
0x7d: {  	[timem:s3], [sflag:s2] =	dma.local @!p0 [hbm:s0], s1  }
0x7e: {  	s0 =	simm.s32 @!p0 $0x1  }
0x7f: {  	_ =	swait.ge @!p0 [sflag:s0], s1  }
0x80: {  	s1 =	ssub.s32 @!p0 $0x0, s1;
	[sflag:s0] =	ssyncset.done @!p0 $0x0  }
0x81: {  	[sflag:s0] =	ssyncadd.s32 @!p0 s1  }
0x82: {  	[bflag:$0x3] =	sbarrier.arrive $0xFFFF  }
0x83: {  	_ =	shalt  }

// kernel: sparse-core-data-format-call.cloned.1.call-start
scs
called_computation_lowered:
.L_overlay_start_0:
0x0: {  	s2 =	sld [smem:$0x3FD9]  }
0x1: {  	s3 =	sld [smem:$0x3FFE];
	_ =	sdelay $0x1  }
0x2: {  	s1 =	srdreg.scid  }
0x3: {  	s0 =	sand.u32 $0x1, s1  }
0x4: {  	s18 =	sshll.u32 s0, $0xA;
	s2 =	sadd.s32 s3, s2  }
0x5: {  	s2 =	sadd.s32 s2, s18  }
0x6: {  	[smem:$0x3FC4] =	sst s2  }
0x7: {  	_ = 	snop  }
0x8: {  	s19 =	sld [smem:$0x3FC8];
	(tm) =	ssettm $0x1  }
0x9: {  	s20 =	sld [smem:$0x3FFB];
	_ =	sdelay $0x3  }
0xa: {  	_ =	strace s20  }
0xb: {  	s2 =	sld [smem:$0x3FFC];
	_ =	sdelay $0x3  }
0xc: {  	_ =	strace s2  }
0xd: {  	s2 =	sld [smem:$0x3FFD];
	_ =	sdelay $0x3  }
0xe: {  	_ =	strace s2  }
0xf: {  	_ =	strace $0x8FFFFFFF  }
0x10: {  	s21 =	sld [smem:$0x3FDB];
	_ =	sdelay $0x1  }
0x11: {  	s4 =	simm.s32 $_scs_section_size  }
0x12: {  	s5 =	simm.s32 $_size__tile_overlayer_lowered;
	s6 =	simm.s32 $_tile_overlayer_lowered  }
0x13: {  	s7 =	simm.s32 $0x1BFF;
	s22 =	sshll.u32 s6, $0x1;
	s4 =	sadd.s32 s4, s21  }
0x14: {  	s23 =	simm.s32 $0x0;
	s5 =	sshll.u32 s5, $0x1;
	s6 =	sadd.s32 s22, s4  }
0x15: {  	[timem:s23], [sflag:s7] =	dma.local [hbm:s6], s5  }
0x16: {  	_ =	swait.ge [sflag:s7], s5  }
0x17: {  	s5 =	ssub.s32 $0x0, s5;
	[sflag:s7] =	ssyncset.done $0x0  }
0x18: {  	[sflag:s7] =	ssyncadd.s32 s5;
	_ =	sdelay $0x1  }
0x19: {  	s24 =	simm.s32 $0x1B8B  }
0x1a: {  	_ =	swait.ge [sflag:s24], $0x1  }
0x1b: {  	[sflag:s24] =	ssyncset.done $0x0  }
0x1c: {  	[sflag:s24] =	ssyncadd.s32 $0xFFFFFFFF  }
0x1d: {  	s5 =	sld [smem:$0x0]  }
0x1e: {  	s6 =	sand.u32 $0xFFFFFFFE, s1  }
0x1f: {  	p0 =	sne.s32 s1, s6  }
0x20: {  	s6 =	sshll.u32 @p0 s6, $0xE  }
0x21: {  	s6 =	sadd.s32 @p0 $0x11B8D, s6;
	s7 =	sshll.u32 @p0 s5, $0x11  }
0x22: {  	s6 =	sor.u32 @p0 s7, s6  }
0x23: {  	[sflag:s6] =	ssyncadd.remote.s32 @p0 $0x1;
	_ =	sdelay $0x1  }
0x24: {  	s6 =	simm.s32 @p0 $0x1B8D  }
0x25: {  	_ =	swait.eq @p0 [sflag:s6], $0x1  }
0x26: {  	[sflag:s6] =	ssyncadd.s32 @p0 $0xFFFFFFFF  }
0x27: {  	s7 =	sshll.u32 @!p0 s1, $0xE  }
0x28: {  	s7 =	sor.u32 @!p0 $0x4000, s7;
	s6 =	simm.s32 @!p0 $0x1B8D  }
0x29: {  	s5 =	sshll.u32 @!p0 s5, $0x11;
	s7 =	sadd.s32 @!p0 $0x11B8D, s7;
	_ =	swait.eq @!p0 [sflag:s6], $0x1  }
0x2a: {  	s5 =	sor.u32 @!p0 s5, s7;
	[sflag:s6] =	ssyncadd.s32 @!p0 $0xFFFFFFFF  }
0x2b: {  	s26 =	simm.s32 $0x1B8E;
	s25 =	sld [smem:$0x3FFE];
	[sflag:s5] =	ssyncadd.remote.s32 @!p0 $0x1  }
0x2c: {  	s27 =	simm.s32 $execute0_lowered;
	[smem:$0x3FD2] =	sst s26  }
0x2d: {  	s6 =	sshll.u32 s27, $0x1;
	_ =	strace $0x80000050;
	[dreg:$0x1] =	wrdreg $0xFFFFFFFF  }
0x2e: {  	s28 =	simm.s32 $_size_execute0_lowered;
	s4 =	sadd.s32 s4, s6;
	[dreg:$0x0] =	wrdreg $0x0  }
0x2f: {  	s6 =	sshll.u32 s28, $0x1;
	[dreg:$0x2] =	wrdreg s4  }
0x30: {  	[dreg:$0x3] =	wrdreg s6  }
0x31: {  	[dreg:$0x4] =	wrdreg $0xC0  }
0x32: {  	_ =	task [dreg:s23], $0x5FFFF  }
0x33: {  	[dreg:$0x1] =	wrdreg $0xFFFFFFFF  }
0x34: {  	[dreg:$0x0] =	wrdreg $0x60  }
0x35: {  	[dreg:$0x2] =	wrdreg s19  }
0x36: {  	[dreg:$0x3] =	wrdreg s25  }
0x37: {  	[dreg:$0x4] =	wrdreg $0x9  }
0x38: {  	_ =	task.clear_ibuf [dreg:s23], $0x5FFFF;
	_ =	strace $0x90000050  }
0x39: {  	s29 =	simm.s32 $0x9;
	_ =	strace $0x80000052  }
0x3a: {  	_ =	swait.ge [sflag:s29], $0x1  }
0x3b: {  	[sflag:s29] =	ssyncadd.s32 $0xFFFFFFFF  }
0x3c: {  	_ =	strace $0x90000052  }
0x3d: {  	_ =	sfence  }
0x3e: {  	s30 =	sld [smem:$0x0];
	_ =	sdelay $0x2  }
0x3f: {  	s31 =	sshll.u32 s1, $0xD;
	s1 =	sshrl.u32 s1, $0x2  }
0x40: {  	s4 =	sand.u32 $0x4000, s31;
	s1 =	sadd.s32 s1, s30  }
0x41: {  	s0 =	sor.u32 s4, s0;
	s1 =	sshll.u32 s1, $0x11  }
0x42: {  	s0 =	sor.u32 s1, s0  }
0x43: {  	s0 =	sadd.s32 $0x8F2B, s0  }
0x44: {  	[sflag:s0] =	ssyncadd.remote.s32 $0x1  }
0x45: {  	_ =	sfence.sel $0xFFFF  }
0x46: {  	[dreg:$0x0] =	wrdreg $0xFFFFFFFF;
	(pc) =	sbr.abs _section_cstart, $3  }
0x47: {  	[dreg:$0x1] =	wrdreg $0xFFFFFFFF  }
0x48: {  	_ =	task.clear_ibuf [dreg:s23], $0x2FFFF;
	_ =	strace $0x9FFFFFFF  }
0x49: {  	(tm) =	ssettm $0x7FFFFFFF  }
tec
execute0_lowered:
.L_overlay_start_1:
0x0: {  	(tag) =	ssettag $0x1  }
0x1: {  	s3 =	stileid.u32  }
0x2: {  	s0 =	srdreg.scid;
	s7 =	rddreg [dreg:$0x0]  }
0x3: {  	s2 =	rddreg [dreg:$0x1];
	s1 =	sshll.u32 s3, $0x3;
	s0 =	sshll.u32 s0, $0x7  }
0x4: {  	_ =	strace $0x80000051;
	s4 =	simm.s32 $0x1;
	s0 =	sor.u32 s1, s0  }
0x5: {  	s30 =	simm.s32 $0x2;
	s16 =	simm.s32 $0x0;
	s6 =	sand.u32 $0xE0, s0  }
0x6: {  	s18 =	simm.s32 $0x0;
	s17 =	simm.s32 $0x0;
	s0 =	ssub.s32 $0x200, s6  }
0x7: {  	s19 =	simm.s32 $0x0;
	s12 =	simm.s32 $0x0;
	s29 =	sand.u32 $0xE0, s0  }
0x8: {  	s31 =	sadd.s32 $0x158200, s2;
	s1 =	simm.s32 $0x1;
	p0 =	sne.s32 s29, $0x0  }
0x9: {  	s9 =	sand.u32 $0x3, s3;
	s0 =	sshrl.u32 s0, $0x8;
	s1 =	simm.s32 @!p0 $0x0  }
.Ltmp0:
0xa: {  	[dreg:$0x5] =	wrdreg s31;
	s0 =	sadd.s32 s1, s0;
	(pc) =	sbr.rel .LBB1_1-.Ltmp0, $4  }
0xb: {  	s13 =	simm.s32 $0x0;
	[dreg:$0x6] =	wrdreg s9;
	s8 =	smul.u32 $0x9, s0  }
0xc: {  	s15 =	simm.s32 $0x0;
	[sflag:s4] =	ssyncpa.u1 $0x0;
	[dreg:$0x3] =	wrdreg s6  }
0xd: {  	[sflag:s30] =	ssyncpa.u1 $0x0;
	s10 =	sadd.s32 $0x1, s8;
	[dreg:$0x4] =	wrdreg s8  }
0xe: {  	s14 =	smov.u32 s9;
	s11 =	smov.u32 s6;
	[dreg:$0x7] =	wrdreg s10  }
.LBB1_4:
0xf: {  	_ =	sdelay $0x3  }
0x10: {  	[tilespmem:v0+s29+$0x0 ss:$0x1] =	vst.idx.msk $0xffff, v7  }
0x11: {  	s22 =	sor.u32 s2, s0;
	v30 =	vld.idx.msk [tilespmem:v1+s23+$0x0 ss:$0x1], $0xffff;
	[tilespmem:v0+s28+$0x0 ss:$0x1] =	vst.idx.msk $0xffff, v6  }
0x12: {  	[tilespmem:v0+s27+$0x0 ss:$0x1] =	vst.idx.msk $0xffff, v4;
	v31 =	vld.idx.msk [tilespmem:v1+s21+$0x0 ss:$0x1], $0xffff;
	s19 =	sor.u32 $0x410, s22  }
0x13: {  	[tilespmem:v0+s25+$0x0 ss:$0x1] =	vst.idx.msk $0xffff, v3;
	s30 =	sor.u32 $0x420, s22;
	v32 =	vld.idx.msk [tilespmem:v1+s19+$0x0 ss:$0x1], $0xffff  }
0x14: {  	[tilespmem:v0+s26+$0x0 ss:$0x1] =	vst.idx.msk $0xffff, v2;
	s31 =	sor.u32 $0x430, s22;
	v44 =	vld.idx.msk [tilespmem:v1+s30+$0x0 ss:$0x1], $0xffff  }
0x15: {  	[tilespmem:v0+s24+$0x0 ss:$0x1] =	vst.idx.msk $0xffff, v5;
	s6 =	sor.u32 $0x440, s22;
	v45 =	vld.idx.msk [tilespmem:v1+s31+$0x0 ss:$0x1], $0xffff  }
0x16: {  	s7 =	sor.u32 $0x450, s22;
	v46 =	vld.idx.msk [tilespmem:v1+s6+$0x0 ss:$0x1], $0xffff;
	[tilespmem:v0+s23+$0x0 ss:$0x1] =	vst.idx.msk $0xffff, v30  }
0x17: {  	s8 =	sor.u32 $0x460, s22;
	v47 =	vld.idx.msk [tilespmem:v1+s7+$0x0 ss:$0x1], $0xffff;
	[tilespmem:v0+s21+$0x0 ss:$0x1] =	vst.idx.msk $0xffff, v31  }
0x18: {  	s9 =	sor.u32 $0x470, s22;
	v48 =	vld.idx.msk [tilespmem:v1+s8+$0x0 ss:$0x1], $0xffff;
	[tilespmem:v0+s19+$0x0 ss:$0x1] =	vst.idx.msk $0xffff, v32  }
0x19: {  	s10 =	sor.u32 $0x810, s22;
	v49 =	vld.idx.msk [tilespmem:v1+s9+$0x0 ss:$0x1], $0xffff;
	[tilespmem:v0+s30+$0x0 ss:$0x1] =	vst.idx.msk $0xffff, v44  }
0x1a: {  	s11 =	sor.u32 $0x820, s22;
	v50 =	vld.idx.msk [tilespmem:v1+s10+$0x0 ss:$0x1], $0xffff;
	[tilespmem:v0+s31+$0x0 ss:$0x1] =	vst.idx.msk $0xffff, v45  }
0x1b: {  	s12 =	sor.u32 $0x830, s22;
	v51 =	vld.idx.msk [tilespmem:v1+s11+$0x0 ss:$0x1], $0xffff;
	[tilespmem:v0+s6+$0x0 ss:$0x1] =	vst.idx.msk $0xffff, v46  }
0x1c: {  	s13 =	sor.u32 $0x840, s22;
	v52 =	vld.idx.msk [tilespmem:v1+s12+$0x0 ss:$0x1], $0xffff;
	[tilespmem:v0+s7+$0x0 ss:$0x1] =	vst.idx.msk $0xffff, v47  }
0x1d: {  	s14 =	sor.u32 $0x850, s22;
	v53 =	vld.idx.msk [tilespmem:v1+s13+$0x0 ss:$0x1], $0xffff;
	[tilespmem:v0+s8+$0x0 ss:$0x1] =	vst.idx.msk $0xffff, v48  }
0x1e: {  	s15 =	sor.u32 $0x860, s22;
	v54 =	vld.idx.msk [tilespmem:v1+s14+$0x0 ss:$0x1], $0xffff;
	[tilespmem:v0+s9+$0x0 ss:$0x1] =	vst.idx.msk $0xffff, v49  }
0x1f: {  	s16 =	sor.u32 $0x870, s22;
	v55 =	vld.idx.msk [tilespmem:v1+s15+$0x0 ss:$0x1], $0xffff;
	[tilespmem:v0+s10+$0x0 ss:$0x1] =	vst.idx.msk $0xffff, v50  }
0x20: {  	s18 =	sand.u32 $0x180, s20;
	s1 =	sand.u32 $0x3200, s22;
	s17 =	sor.u32 $0xC10, s22;
	v56 =	vld.idx.msk [tilespmem:v1+s16+$0x0 ss:$0x1], $0xffff;
	[tilespmem:v0+s11+$0x0 ss:$0x1] =	vst.idx.msk $0xffff, v51  }
0x21: {  	s0 =	sor.u32 s18, s1;
	v57 =	vld.idx.msk [tilespmem:v1+s17+$0x0 ss:$0x1], $0xffff;
	[tilespmem:v0+s12+$0x0 ss:$0x1] =	vst.idx.msk $0xffff, v52  }
0x22: {  	s20 =	sor.u32 $0xC00, s0;
	v37 =	vld.idx.msk [tilespmem:v1+s0+$0x0 ss:$0x1], $0xffff;
	[tilespmem:v0+s13+$0x0 ss:$0x1] =	vst.idx.msk $0xffff, v53  }
0x23: {  	s3 =	sor.u32 $0x10, s0;
	v33 =	vld.idx.msk [tilespmem:v1+s20+$0x0 ss:$0x1], $0xffff;
	[tilespmem:v0+s14+$0x0 ss:$0x1] =	vst.idx.msk $0xffff, v54  }
0x24: {  	s4 =	sor.u32 $0x20, s0;
	v34 =	vld.idx.msk [tilespmem:v1+s3+$0x0 ss:$0x1], $0xffff;
	[tilespmem:v0+s15+$0x0 ss:$0x1] =	vst.idx.msk $0xffff, v55  }
0x25: {  	s5 =	sor.u32 $0x30, s0;
	v35 =	vld.idx.msk [tilespmem:v1+s4+$0x0 ss:$0x1], $0xffff;
	[tilespmem:v0+s16+$0x0 ss:$0x1] =	vst.idx.msk $0xffff, v56  }
0x26: {  	s25 =	sor.u32 $0x40, s0;
	v36 =	vld.idx.msk [tilespmem:v1+s5+$0x0 ss:$0x1], $0xffff;
	[tilespmem:v0+s17+$0x0 ss:$0x1] =	vst.idx.msk $0xffff, v57  }
0x27: {  	s26 =	sor.u32 $0x50, s0;
	v38 =	vld.idx.msk [tilespmem:v1+s25+$0x0 ss:$0x1], $0xffff;
	[tilespmem:v0+s0+$0x0 ss:$0x1] =	vst.idx.msk $0xffff, v37  }
0x28: {  	s27 =	sor.u32 $0x60, s0;
	v39 =	vld.idx.msk [tilespmem:v1+s26+$0x0 ss:$0x1], $0xffff;
	[tilespmem:v0+s20+$0x0 ss:$0x1] =	vst.idx.msk $0xffff, v33  }
0x29: {  	s28 =	sor.u32 $0x70, s0;
	v40 =	vld.idx.msk [tilespmem:v1+s27+$0x0 ss:$0x1], $0xffff;
	[tilespmem:v0+s3+$0x0 ss:$0x1] =	vst.idx.msk $0xffff, v34  }
0x2a: {  	s29 =	sor.u32 $0x400, s0;
	v41 =	vld.idx.msk [tilespmem:v1+s28+$0x0 ss:$0x1], $0xffff;
	[tilespmem:v0+s4+$0x0 ss:$0x1] =	vst.idx.msk $0xffff, v35  }
0x2b: {  	v42 =	vld.idx.msk [tilespmem:v1+s29+$0x0 ss:$0x1], $0xffff;
	s0 =	sor.u32 $0x800, s0;
	[tilespmem:v0+s5+$0x0 ss:$0x1] =	vst.idx.msk $0xffff, v36  }
0x2c: {  	s18 =	sor.u32 $0xC20, s22;
	[tilespmem:v0+s25+$0x0 ss:$0x1] =	vst.idx.msk $0xffff, v38;
	v43 =	vld.idx.msk [tilespmem:v1+s0+$0x0 ss:$0x1], $0xffff  }
0x2d: {  	v58 =	vld.idx.msk [tilespmem:v1+s18+$0x0 ss:$0x1], $0xffff;
	s19 =	sor.u32 $0xC30, s22;
	[tilespmem:v0+s26+$0x0 ss:$0x1] =	vst.idx.msk $0xffff, v39  }
0x2e: {  	v59 =	vld.idx.msk [tilespmem:v1+s19+$0x0 ss:$0x1], $0xffff;
	[tilespmem:v0+s27+$0x0 ss:$0x1] =	vst.idx.msk $0xffff, v40  }
0x2f: {  	[tilespmem:v0+s28+$0x0 ss:$0x1] =	vst.idx.msk $0xffff, v41;
	s20 =	sor.u32 $0xC40, s22  }
0x30: {  	[tilespmem:v0+s29+$0x0 ss:$0x1] =	vst.idx.msk $0xffff, v42;
	v60 =	vld.idx.msk [tilespmem:v1+s20+$0x0 ss:$0x1], $0xffff  }
0x31: {  	s21 =	sor.u32 $0xC50, s22;
	[tilespmem:v0+s0+$0x0 ss:$0x1] =	vst.idx.msk $0xffff, v43  }
0x32: {  	s23 =	sor.u32 $0xC60, s22;
	v61 =	vld.idx.msk [tilespmem:v1+s21+$0x0 ss:$0x1], $0xffff;
	s7 =	rddreg [dreg:$0xd];
	[tilespmem:v0+s18+$0x0 ss:$0x1] =	vst.idx.msk $0xffff, v58  }
0x33: {  	v62 =	vld.idx.msk [tilespmem:v1+s23+$0x0 ss:$0x1], $0xffff;
	s6 =	sor.u32 $0xC70, s22;
	[tilespmem:v0+s19+$0x0 ss:$0x1] =	vst.idx.msk $0xffff, v59  }
0x34: {  	v63 =	vld.idx.msk [tilespmem:v1+s6+$0x0 ss:$0x1], $0xffff;
	s4 =	rddreg [dreg:$0xf]  }
0x35: {  	s26 =	rddreg [dreg:$0x10];
	[tilespmem:v0+s20+$0x0 ss:$0x1] =	vst.idx.msk $0xffff, v60  }
0x36: {  	s5 =	rddreg [dreg:$0xe]  }
0x37: {  	s8 =	rddreg [dreg:$0x5];
	[tilespmem:v0+s21+$0x0 ss:$0x1] =	vst.idx.msk $0xffff, v61  }
0x38: {  	[tilespmem:v0+s23+$0x0 ss:$0x1] =	vst.idx.msk $0xffff, v62  }
0x39: {  	[tilespmem:v0+s6+$0x0 ss:$0x1] =	vst.idx.msk $0xffff, v63  }
0x3a: {  	s24 =	sshll.u32 s7, $0x9;
	s31 =	rddreg [dreg:$0x11]  }
0x3b: {  	s25 =	sshll.u32 s7, $0x7;
	s7 =	sshll.u32 s26, $0xF;
	s6 =	rddreg [dreg:$0x3]  }
0x3c: {  	s7 =	sadd.s32 s8, s7;
	s8 =	rddreg [dreg:$0x4]  }
0x3d: {  	s9 =	rddreg [dreg:$0x6]  }
0x3e: {  	s10 =	rddreg [dreg:$0x7]  }
0x3f: {  	s11 =	rddreg [dreg:$0x8]  }
0x40: {  	s2 =	sand.u32 $0x3F000, s24;
	s4 =	smul.u32 $0x60000, s4;
	s12 =	rddreg [dreg:$0x9]  }
0x41: {  	s3 =	sand.u32 $0x380, s25;
	s5 =	sshll.u32 s5, $0x11;
	s13 =	rddreg [dreg:$0xa]  }
0x42: {  	s27 =	sor.u32 s3, s2;
	s14 =	rddreg [dreg:$0xb];
	s28 =	sadd.s32 s5, s7  }
0x43: {  	s15 =	rddreg [dreg:$0xc];
	s0 =	sshrl.u32 s27, $0x3;
	s29 =	sadd.s32 s4, s28  }
0x44: {  	s30 =	simm.s32 $0x0;
	s7 =	rddreg [dreg:$0x0];
	s0 =	sadd.s32 s0, s29  }
0x45: {  	[hbm4b:s0+s30] =	stream.linear.scatter [tilespmem:s31], [sflag:$0x2], $0x4000, $0x38;
	[tilespmem:$0x10000] =	vst v63  }
.LBB1_5:
0x46: {  	s0 =	sadd.s32 $0x100, s11  }
0x47: {  	s1 =	simm.s32 $0x1;
	p1 =	sgt.s32 s0, $0x1FF  }
0x48: {  	s1 =	simm.s32 @!p1 $0x0  }
0x49: {  	s1 =	sadd.s32 s1, s12  }
0x4a: {  	s2 =	simm.s32 $0x1;
	p2 =	sgt.s32 s1, $0x2  }
0x4b: {  	s2 =	simm.s32 @!p2 $0x0  }
0x4c: {  	s2 =	sadd.s32 s2, s13  }
0x4d: {  	s3 =	sadd.s32 $0x4, s14;
	s4 =	smov.u32 s14;
	p3 =	sgt.s32 s2, $0x2  }
0x4e: {  	s4 =	smov.u32 @p3 s3  }
0x4f: {  	p0 =	slt.u32 s15, $0x2;
	s0 =	smov.u32 @p1 s6;
	p1 =	sgt.s32 s4, $0x3  }
0x50: {  	s16 =	smov.u32 s11;
	s4 =	smov.u32 @p1 s9;
	p1 =	sne.s32 s15, s10  }
.Ltmp1:
0x51: {  	s18 =	smov.u32 s12;
	s17 =	smov.u32 s13;
	(pc) =	sbr.rel @!p1 .LBB1_6-.Ltmp1, $4  }
0x52: {  	s19 =	smov.u32 s14;
	s11 =	smov.u32 s0;
	s3 =	simm.s32 @!p0 $0x2  }
0x53: {  	s1 =	simm.s32 @p2 $0x0;
	s2 =	simm.s32 @p3 $0x0;
	_ =	swait.ge @!p0 [sflag:s3], $0x4000  }
0x54: {  	s12 =	smov.u32 s1;
	s13 =	smov.u32 s2;
	[sflag:s3] =	ssyncset.done @!p0 $0x0  }
0x55: {  	s15 =	sadd.s32 $0x1, s15;
	[sflag:s3] =	ssyncadd.s32 @!p0 $0xFFFFC000;
	s14 =	smov.u32 s4  }
.LBB1_1:
0x56: {  	p0 =	sge.u32 s15, s8  }
0x57: {  	s31 =	sadd.s32 $0xFFFFFFFF, s15;
	s0 =	sxor.u32 @!p0 $0xFFFFFFFF, s15;
	s1 =	smul.u32 @!p0 $0x48000, s14  }
0x58: {  	s2 =	sshll.u32 @!p0 s11, $0x9;
	s3 =	sshll.u32 @!p0 s11, $0x7;
	s4 =	smul.u32 @!p0 $0x18000, s13  }
0x59: {  	s2 =	sand.u32 @!p0 $0x3F000, s2;
	s3 =	sand.u32 @!p0 $0x380, s3;
	s1 =	sadd.s32 @!p0 s7, s1  }
0x5a: {  	s5 =	sshll.u32 @!p0 s12, $0xF;
	s2 =	sor.u32 @!p0 s3, s2;
	s1 =	sadd.s32 @!p0 s4, s1  }
0x5b: {  	s0 =	sshll.u32 @!p0 s0, $0xE;
	s2 =	sshrl.u32 @!p0 s2, $0x3;
	s1 =	sadd.s32 @!p0 s5, s1  }
0x5c: {  	s0 =	sand.u32 @!p0 $0x4000, s0;
	s1 =	sadd.s32 @!p0 s2, s1;
	s2 =	simm.s32 @!p0 $0x0  }
0x5d: {  	[tilespmem:s0], [sflag:$0x1] =	stream.linear.gather @!p0 [hbm4b:s1+s2], $0x4000, $0x38;
	[tilespmem:$0x10000] =	vst v63  }
0x5e: {  	p0 =	sge.u32 s31, s8  }
.Ltmp2:
0x5f: {  	_ = 	snop;
	(pc) =	sbr.rel @p0 .LBB1_5-.Ltmp2, $1  }
0x60: {  	_ =	sdelay $0x3  }
0x61: {  	[dreg:$0x10] =	wrdreg s19  }
0x62: {  	[dreg:$0xf] =	wrdreg s18  }
0x63: {  	[dreg:$0xe] =	wrdreg s17  }
0x64: {  	[dreg:$0xd] =	wrdreg s16  }
0x65: {  	[dreg:$0xb] =	wrdreg s14  }
0x66: {  	[dreg:$0xa] =	wrdreg s13  }
0x67: {  	[dreg:$0x9] =	wrdreg s12;
	s0 =	sshll.u32 s15, $0xE  }
0x68: {  	[dreg:$0x8] =	wrdreg s11;
	s0 =	sand.u32 $0x4000, s0  }
0x69: {  	[dreg:$0xc] =	wrdreg s15;
	s4 =	simm.s32 $0x1;
	v1 =	vmov s0  }
0x6a: {  	s1 =	simm.s32 $0x0;
	_ =	swait.ge [sflag:s4], $0x4000  }
0x6b: {  	s2 =	sand.u32 $0x3000, s1;
	s3 =	sand.u32 $0x380, s1;
	s1 =	sand.u32 $0x180, s1  }
0x6c: {  	[sflag:s4] =	ssyncset.done $0x0;
	s20 =	sor.u32 s3, s2;
	s26 =	sor.u32 $0x8000, s0  }
0x6d: {  	[sflag:s4] =	ssyncadd.s32 $0xFFFFC000;
	s2 =	sand.u32 $0x3200, s20;
	s3 =	sor.u32 $0x410, s20  }
0x6e: {  	s30 =	sor.u32 s1, s2;
	v2 =	vld.idx.msk [tilespmem:v1+s3+$0x0 ss:$0x1], $0xffff;
	[dreg:$0x11] =	wrdreg s26  }
0x6f: {  	v0 =	vmov s26;
	s1 =	sor.u32 $0xC00, s30;
	v3 =	vld.idx.msk [tilespmem:v1+s30+$0x0 ss:$0x1], $0xffff  }
0x70: {  	s2 =	sor.u32 $0x10, s30;
	v4 =	vld.idx.msk [tilespmem:v1+s1+$0x0 ss:$0x1], $0xffff  }
0x71: {  	s31 =	sor.u32 $0x20, s30;
	v5 =	vld.idx.msk [tilespmem:v1+s2+$0x0 ss:$0x1], $0xffff  }
0x72: {  	s5 =	sor.u32 $0x30, s30;
	v6 =	vld.idx.msk [tilespmem:v1+s31+$0x0 ss:$0x1], $0xffff  }
0x73: {  	s6 =	sor.u32 $0x40, s30;
	v7 =	vld.idx.msk [tilespmem:v1+s5+$0x0 ss:$0x1], $0xffff  }
0x74: {  	s21 =	sor.u32 $0x840, s20;
	v8 =	vld.idx.msk [tilespmem:v1+s6+$0x0 ss:$0x1], $0xffff;
	[tilespmem:v0+s3+$0x0 ss:$0x1] =	vst.idx.msk $0xffff, v2  }
0x75: {  	s7 =	sor.u32 $0x50, s30;
	v9 =	vld.idx.msk [tilespmem:v1+s21+$0x0 ss:$0x1], $0xffff;
	[tilespmem:v0+s30+$0x0 ss:$0x1] =	vst.idx.msk $0xffff, v3  }
0x76: {  	s9 =	sor.u32 $0x60, s30;
	v2 =	vld.idx.msk [tilespmem:v1+s7+$0x0 ss:$0x1], $0xffff;
	[tilespmem:v0+s1+$0x0 ss:$0x1] =	vst.idx.msk $0xffff, v4  }
0x77: {  	s8 =	sor.u32 $0x70, s30;
	v3 =	vld.idx.msk [tilespmem:v1+s9+$0x0 ss:$0x1], $0xffff;
	[tilespmem:v0+s2+$0x0 ss:$0x1] =	vst.idx.msk $0xffff, v5  }
0x78: {  	s10 =	sor.u32 $0x400, s30;
	v4 =	vld.idx.msk [tilespmem:v1+s8+$0x0 ss:$0x1], $0xffff;
	[tilespmem:v0+s31+$0x0 ss:$0x1] =	vst.idx.msk $0xffff, v6  }
0x79: {  	s0 =	sor.u32 $0x800, s30;
	v5 =	vld.idx.msk [tilespmem:v1+s10+$0x0 ss:$0x1], $0xffff;
	[tilespmem:v0+s5+$0x0 ss:$0x1] =	vst.idx.msk $0xffff, v7  }
0x7a: {  	s11 =	sor.u32 $0x420, s20;
	v6 =	vld.idx.msk [tilespmem:v1+s0+$0x0 ss:$0x1], $0xffff;
	[tilespmem:v0+s6+$0x0 ss:$0x1] =	vst.idx.msk $0xffff, v8  }
0x7b: {  	s16 =	sor.u32 $0x470, s20;
	v7 =	vld.idx.msk [tilespmem:v1+s11+$0x0 ss:$0x1], $0xffff;
	[tilespmem:v0+s21+$0x0 ss:$0x1] =	vst.idx.msk $0xffff, v9  }
0x7c: {  	s12 =	sor.u32 $0x430, s20;
	v8 =	vld.idx.msk [tilespmem:v1+s16+$0x0 ss:$0x1], $0xffff;
	[tilespmem:v0+s7+$0x0 ss:$0x1] =	vst.idx.msk $0xffff, v2  }
0x7d: {  	s13 =	sor.u32 $0x440, s20;
	v2 =	vld.idx.msk [tilespmem:v1+s12+$0x0 ss:$0x1], $0xffff;
	[tilespmem:v0+s9+$0x0 ss:$0x1] =	vst.idx.msk $0xffff, v3  }
0x7e: {  	s14 =	sor.u32 $0x450, s20;
	v3 =	vld.idx.msk [tilespmem:v1+s13+$0x0 ss:$0x1], $0xffff;
	[tilespmem:v0+s8+$0x0 ss:$0x1] =	vst.idx.msk $0xffff, v4  }
0x7f: {  	s15 =	sor.u32 $0x460, s20;
	v4 =	vld.idx.msk [tilespmem:v1+s14+$0x0 ss:$0x1], $0xffff;
	[tilespmem:v0+s10+$0x0 ss:$0x1] =	vst.idx.msk $0xffff, v5  }
0x80: {  	s17 =	sor.u32 $0x810, s20;
	v5 =	vld.idx.msk [tilespmem:v1+s15+$0x0 ss:$0x1], $0xffff;
	[tilespmem:v0+s0+$0x0 ss:$0x1] =	vst.idx.msk $0xffff, v6  }
0x81: {  	s30 =	sor.u32 $0x860, s20;
	[tilespmem:v0+s11+$0x0 ss:$0x1] =	vst.idx.msk $0xffff, v7;
	v6 =	vld.idx.msk [tilespmem:v1+s17+$0x0 ss:$0x1], $0xffff  }
0x82: {  	s29 =	sor.u32 $0x870, s20;
	[tilespmem:v0+s16+$0x0 ss:$0x1] =	vst.idx.msk $0xffff, v8;
	v8 =	vld.idx.msk [tilespmem:v1+s30+$0x0 ss:$0x1], $0xffff  }
0x83: {  	s18 =	sor.u32 $0x820, s20;
	v7 =	vld.idx.msk [tilespmem:v1+s29+$0x0 ss:$0x1], $0xffff;
	[tilespmem:v0+s12+$0x0 ss:$0x1] =	vst.idx.msk $0xffff, v2  }
0x84: {  	s19 =	sor.u32 $0x830, s20;
	v2 =	vld.idx.msk [tilespmem:v1+s18+$0x0 ss:$0x1], $0xffff;
	[tilespmem:v0+s13+$0x0 ss:$0x1] =	vst.idx.msk $0xffff, v3  }
0x85: {  	s22 =	sor.u32 $0x850, s20;
	v3 =	vld.idx.msk [tilespmem:v1+s19+$0x0 ss:$0x1], $0xffff;
	[tilespmem:v0+s14+$0x0 ss:$0x1] =	vst.idx.msk $0xffff, v4  }
0x86: {  	s28 =	sor.u32 $0xC10, s20;
	[tilespmem:v0+s15+$0x0 ss:$0x1] =	vst.idx.msk $0xffff, v5;
	v5 =	vld.idx.msk [tilespmem:v1+s22+$0x0 ss:$0x1], $0xffff  }
0x87: {  	s27 =	sor.u32 $0xC20, s20;
	[tilespmem:v0+s17+$0x0 ss:$0x1] =	vst.idx.msk $0xffff, v6;
	v6 =	vld.idx.msk [tilespmem:v1+s28+$0x0 ss:$0x1], $0xffff  }
0x88: {  	s26 =	sor.u32 $0xC40, s20;
	v4 =	vld.idx.msk [tilespmem:v1+s27+$0x0 ss:$0x1], $0xffff;
	[tilespmem:v0+s30+$0x0 ss:$0x1] =	vst.idx.msk $0xffff, v8  }
0x89: {  	s25 =	sor.u32 $0xC30, s20;
	s24 =	sor.u32 $0xC50, s20;
	s23 =	sor.u32 $0xC60, s20;
	[tilespmem:v0+s18+$0x0 ss:$0x1] =	vst.idx.msk $0xffff, v2;
	v2 =	vld.idx.msk [tilespmem:v1+s26+$0x0 ss:$0x1], $0xffff  }
0x8a: {  	s31 =	simm.s32 $0x200;
	s21 =	sor.u32 $0xC70, s20;
	s20 =	simm.s32 $0x80;
	[tilespmem:v0+s19+$0x0 ss:$0x1] =	vst.idx.msk $0xffff, v3;
	v3 =	vld.idx.msk [tilespmem:v1+s25+$0x0 ss:$0x1], $0xffff  }
0x8b: {  	s2 =	sand.u32 $0x380, s20;
	s0 =	sand.u32 $0x3000, s31;
	[tilespmem:v0+s22+$0x0 ss:$0x1] =	vst.idx.msk $0xffff, v5;
	s22 =	simm.s32 $0x400;
	v5 =	vld.idx.msk [tilespmem:v1+s24+$0x0 ss:$0x1], $0xffff  }
.LBB1_3:
0x8c: {  	p0 =	sne.s32 s22, $0x3E00;
	s0 =	sor.u32 s2, s0;
	[tilespmem:v0+s29+$0x0 ss:$0x1] =	vst.idx.msk $0xffff, v7;
	v7 =	vld.idx.msk [tilespmem:v1+s23+$0x0 ss:$0x1], $0xffff  }
0x8d: {  	s1 =	sand.u32 $0x180, s20;
	s2 =	sand.u32 $0x3200, s0;
	s3 =	sor.u32 $0x410, s0;
	[tilespmem:v0+s28+$0x0 ss:$0x1] =	vst.idx.msk $0xffff, v6;
	v6 =	vld.idx.msk [tilespmem:v1+s21+$0x0 ss:$0x1], $0xffff  }
0x8e: {  	s31 =	sor.u32 $0x420, s0;
	s30 =	sor.u32 $0x430, s0;
	s1 =	sor.u32 s1, s2;
	v8 =	vld.idx.msk [tilespmem:v1+s3+$0x0 ss:$0x1], $0xffff;
	[tilespmem:v0+s27+$0x0 ss:$0x1] =	vst.idx.msk $0xffff, v4  }
0x8f: {  	v4 =	vld.idx.msk [tilespmem:v1+s1+$0x0 ss:$0x1], $0xffff;
	s16 =	sor.u32 $0x10, s1;
	s17 =	sor.u32 $0x20, s1;
	s27 =	sor.u32 $0xC00, s1;
	[tilespmem:v0+s25+$0x0 ss:$0x1] =	vst.idx.msk $0xffff, v3  }
0x90: {  	s18 =	sor.u32 $0x30, s1;
	s15 =	sor.u32 $0x40, s1;
	s11 =	sor.u32 $0x50, s1;
	v3 =	vld.idx.msk [tilespmem:v1+s27+$0x0 ss:$0x1], $0xffff;
	[tilespmem:v0+s26+$0x0 ss:$0x1] =	vst.idx.msk $0xffff, v2  }
0x91: {  	s12 =	sor.u32 $0x60, s1;
	s10 =	sor.u32 $0x70, s1;
	s13 =	sor.u32 $0x400, s1;
	v2 =	vld.idx.msk [tilespmem:v1+s16+$0x0 ss:$0x1], $0xffff;
	[tilespmem:v0+s24+$0x0 ss:$0x1] =	vst.idx.msk $0xffff, v5  }
0x92: {  	s19 =	sor.u32 $0x440, s0;
	s8 =	sor.u32 $0x450, s0;
	s14 =	sor.u32 $0x800, s1;
	v5 =	vld.idx.msk [tilespmem:v1+s17+$0x0 ss:$0x1], $0xffff;
	[tilespmem:v0+s23+$0x0 ss:$0x1] =	vst.idx.msk $0xffff, v7  }
0x93: {  	s5 =	sor.u32 $0x460, s0;
	s6 =	sor.u32 $0x810, s0;
	s2 =	sor.u32 $0x470, s0;
	v7 =	vld.idx.msk [tilespmem:v1+s18+$0x0 ss:$0x1], $0xffff;
	[tilespmem:v0+s21+$0x0 ss:$0x1] =	vst.idx.msk $0xffff, v6  }
0x94: {  	s7 =	sor.u32 $0x820, s0;
	s4 =	sor.u32 $0x830, s0;
	s9 =	sor.u32 $0x840, s0;
	v6 =	vld.idx.msk [tilespmem:v1+s15+$0x0 ss:$0x1], $0xffff;
	[tilespmem:v0+s3+$0x0 ss:$0x1] =	vst.idx.msk $0xffff, v8  }
0x95: {  	s29 =	sor.u32 $0x870, s0;
	s3 =	sor.u32 $0x850, s0;
	[tilespmem:v0+s1+$0x0 ss:$0x1] =	vst.idx.msk $0xffff, v4;
	v4 =	vld.idx.msk [tilespmem:v1+s11+$0x0 ss:$0x1], $0xffff;
	s1 =	sor.u32 $0x860, s0  }
0x96: {  	s28 =	sor.u32 $0xC10, s0;
	s25 =	sor.u32 $0xC30, s0;
	v8 =	vld.idx.msk [tilespmem:v1+s12+$0x0 ss:$0x1], $0xffff;
	[tilespmem:v0+s27+$0x0 ss:$0x1] =	vst.idx.msk $0xffff, v3;
	s27 =	sor.u32 $0xC20, s0  }
0x97: {  	s26 =	sor.u32 $0xC40, s0;
	s24 =	sor.u32 $0xC50, s0;
	s23 =	sor.u32 $0xC60, s0;
	[tilespmem:v0+s16+$0x0 ss:$0x1] =	vst.idx.msk $0xffff, v2;
	v2 =	vld.idx.msk [tilespmem:v1+s10+$0x0 ss:$0x1], $0xffff  }
0x98: {  	s21 =	sor.u32 $0xC70, s0;
	[tilespmem:v0+s17+$0x0 ss:$0x1] =	vst.idx.msk $0xffff, v5;
	v3 =	vld.idx.msk [tilespmem:v1+s13+$0x0 ss:$0x1], $0xffff  }
0x99: {  	[tilespmem:v0+s18+$0x0 ss:$0x1] =	vst.idx.msk $0xffff, v7;
	v5 =	vld.idx.msk [tilespmem:v1+s14+$0x0 ss:$0x1], $0xffff  }
0x9a: {  	[tilespmem:v0+s15+$0x0 ss:$0x1] =	vst.idx.msk $0xffff, v6;
	v6 =	vld.idx.msk [tilespmem:v1+s31+$0x0 ss:$0x1], $0xffff  }
0x9b: {  	[tilespmem:v0+s11+$0x0 ss:$0x1] =	vst.idx.msk $0xffff, v4;
	v4 =	vld.idx.msk [tilespmem:v1+s30+$0x0 ss:$0x1], $0xffff  }
0x9c: {  	[tilespmem:v0+s12+$0x0 ss:$0x1] =	vst.idx.msk $0xffff, v8;
	v7 =	vld.idx.msk [tilespmem:v1+s19+$0x0 ss:$0x1], $0xffff  }
0x9d: {  	[tilespmem:v0+s10+$0x0 ss:$0x1] =	vst.idx.msk $0xffff, v2;
	v2 =	vld.idx.msk [tilespmem:v1+s8+$0x0 ss:$0x1], $0xffff  }
0x9e: {  	[tilespmem:v0+s13+$0x0 ss:$0x1] =	vst.idx.msk $0xffff, v3;
	v3 =	vld.idx.msk [tilespmem:v1+s5+$0x0 ss:$0x1], $0xffff  }
0x9f: {  	v8 =	vld.idx.msk [tilespmem:v1+s2+$0x0 ss:$0x1], $0xffff;
	[tilespmem:v0+s14+$0x0 ss:$0x1] =	vst.idx.msk $0xffff, v5  }
0xa0: {  	[tilespmem:v0+s31+$0x0 ss:$0x1] =	vst.idx.msk $0xffff, v6;
	v5 =	vld.idx.msk [tilespmem:v1+s6+$0x0 ss:$0x1], $0xffff  }
0xa1: {  	[tilespmem:v0+s30+$0x0 ss:$0x1] =	vst.idx.msk $0xffff, v4;
	v4 =	vld.idx.msk [tilespmem:v1+s7+$0x0 ss:$0x1], $0xffff  }
0xa2: {  	[tilespmem:v0+s19+$0x0 ss:$0x1] =	vst.idx.msk $0xffff, v7;
	v9 =	vld.idx.msk [tilespmem:v1+s4+$0x0 ss:$0x1], $0xffff  }
0xa3: {  	[tilespmem:v0+s8+$0x0 ss:$0x1] =	vst.idx.msk $0xffff, v2;
	v2 =	vld.idx.msk [tilespmem:v1+s9+$0x0 ss:$0x1], $0xffff  }
0xa4: {  	[tilespmem:v0+s5+$0x0 ss:$0x1] =	vst.idx.msk $0xffff, v3;
	v10 =	vld.idx.msk [tilespmem:v1+s3+$0x0 ss:$0x1], $0xffff  }
0xa5: {  	[tilespmem:v0+s2+$0x0 ss:$0x1] =	vst.idx.msk $0xffff, v8;
	v8 =	vld.idx.msk [tilespmem:v1+s1+$0x0 ss:$0x1], $0xffff  }
0xa6: {  	[tilespmem:v0+s6+$0x0 ss:$0x1] =	vst.idx.msk $0xffff, v5;
	v7 =	vld.idx.msk [tilespmem:v1+s29+$0x0 ss:$0x1], $0xffff  }
.Ltmp3:
0xa7: {  	[tilespmem:v0+s7+$0x0 ss:$0x1] =	vst.idx.msk $0xffff, v4;
	v6 =	vld.idx.msk [tilespmem:v1+s28+$0x0 ss:$0x1], $0xffff;
	(pc) =	sbr.rel @p0 .LBB1_3-.Ltmp3, $4  }
0xa8: {  	[tilespmem:v0+s4+$0x0 ss:$0x1] =	vst.idx.msk $0xffff, v9;
	v4 =	vld.idx.msk [tilespmem:v1+s27+$0x0 ss:$0x1], $0xffff  }
0xa9: {  	[tilespmem:v0+s9+$0x0 ss:$0x1] =	vst.idx.msk $0xffff, v2;
	v3 =	vld.idx.msk [tilespmem:v1+s25+$0x0 ss:$0x1], $0xffff  }
0xaa: {  	s20 =	sadd.s32 $0x80, s20;
	[tilespmem:v0+s3+$0x0 ss:$0x1] =	vst.idx.msk $0xffff, v10;
	v2 =	vld.idx.msk [tilespmem:v1+s26+$0x0 ss:$0x1], $0xffff  }
0xab: {  	s0 =	sand.u32 $0x3000, s22;
	s22 =	sadd.s32 $0x200, s22;
	s2 =	sand.u32 $0x380, s20;
	[tilespmem:v0+s1+$0x0 ss:$0x1] =	vst.idx.msk $0xffff, v8;
	v5 =	vld.idx.msk [tilespmem:v1+s24+$0x0 ss:$0x1], $0xffff  }
.Ltmp4:
0xac: {  	_ = 	snop;
	(pc) =	sbr.rel .LBB1_4-.Ltmp4, $1  }
0xad: {  	_ =	sdelay $0x3  }
.LBB1_6:
0xae: {  	_ =	sfence.sel $0x180000  }
0xaf: {  	s0 =	simm.s32 $0x1;
	[bflag:$0x0] =	sbarrier.arrive $0xFFFF  }
0xb0: {  	s30 =	simm.s32 $0x2;
	[sflag:s0] =	ssyncpa.u1 $0x1  }
0xb1: {  	[sflag:s30] =	ssyncpa.u1 $0x1  }
0xb2: {  	_ =	strace $0x90000051  }
0xb3: {  	s31 =	stileid.u32;
	[bflag:$0x2] =	sbarrier.arrive $0xFFFF  }
0xb4: {  	p0 =	sne.s32 s31, $0x0;
	s0 =	rddreg [dreg:$0x2]  }
0xb5: {  	s0 =	sadd.s32 @!p0 $0x100000, s0  }
0xb6: {  	[sflag:s0] =	ssyncadd.tile.s32 @!p0 $0x1;
	_ =	shalt  }
.Lfunc_end1:
_tile_overlayer_lowered:
.L_overlay_start_2:
0xb7: {  	(tag) =	ssettag $0x2  }
0xb8: {  	s0 =	rddreg [dreg:$0x0];
	s2 =	stileid.u32  }
0xb9: {  	s1 =	rddreg [dreg:$0x1];
	p0 =	sne.s32 s2, $0x0  }
0xba: {  	s3 =	rddreg [dreg:$0x2];
	[bflag:$0x3] =	sbarrier.arrive $0xFFFF;
	s2 =	simm.s32 @!p0 $0x1C01  }
0xbb: {  	[timem:s3], [sflag:s2] =	dma.local @!p0 [hbm:s0], s1  }
0xbc: {  	s0 =	simm.s32 @!p0 $0x1  }
0xbd: {  	_ =	swait.ge @!p0 [sflag:s0], s1  }
0xbe: {  	s1 =	ssub.s32 @!p0 $0x0, s1;
	[sflag:s0] =	ssyncset.done @!p0 $0x0  }
0xbf: {  	[sflag:s0] =	ssyncadd.s32 @!p0 s1  }
0xc0: {  	[bflag:$0x3] =	sbarrier.arrive $0xFFFF  }
0xc1: {  	_ =	shalt  }

</sc_bundles>
